<compile_context>
chip_gen: v7x
topology: tpu7x:2x2x1
jax: 0.10.2.dev20260603
libtpu: 0.0.44.dev20260713+nightly
codegen_flags: <defaults>
</compile_context>

<pallas_src>
import functools

import jax
import jax.numpy as jnp
from jax import lax
from jax.experimental import pallas as pl
from jax.experimental.pallas import tpu as pltpu
from jax.experimental.pallas import tpu_sc as plsc

NC = 2
NS = 16
NW = NC * NS
CH = 128
CHM = 80
DEGW = 8


def _mesh():
    return plsc.VectorSubcoreMesh(
        core_axis_name="c", subcore_axis_name="s",
        num_cores=NC, num_subcores=NS)


def _make_deg_kernel(C, NPAD, RPT):

    @functools.partial(
        pl.kernel,
        out_type=jax.ShapeDtypeStruct((NC, NPAD, DEGW), jnp.float32),
        mesh=_mesh(),
        scratch_types=[
            pltpu.VMEM((C, CH), jnp.int32),
            pltpu.VMEM((CH, DEGW), jnp.float32),
            pltpu.VMEM((RPT, DEGW), jnp.float32),
            pltpu.VMEM_SHARED((NPAD, DEGW), jnp.float32),
        ],
        compiler_params=pltpu.CompilerParams(use_tc_tiling_on_sc=False))
    def deg_kernel(idx_hbm, ones_hbm, zeros_hbm, deg_hbm,
                   idx_v, ones_v, zero_v, deg_s):
        cid = lax.axis_index("c")
        sid = lax.axis_index("s")
        pltpu.sync_copy(idx_hbm.at[cid * NS + sid], idx_v)
        pltpu.sync_copy(ones_hbm, ones_v)
        pltpu.sync_copy(zeros_hbm, zero_v)
        sl = pl.ds(sid * RPT, RPT)
        pltpu.sync_copy(zero_v, deg_s.at[sl])
        plsc.subcore_barrier()

        def body(j, carry):
            pltpu.sync_copy(ones_v, deg_s.at[idx_v.at[j]], add=True)
            return carry
        lax.fori_loop(0, C, body, 0)
        plsc.subcore_barrier()
        pltpu.sync_copy(deg_s.at[sl], zero_v)
        pltpu.sync_copy(zero_v, deg_hbm.at[cid, sl])

    return deg_kernel


def _make_mp_kernel(C0, C1, NPAD, RPT, D):
    CMAX = max(C0, C1)
    assert C0 % 2 == 0
    assert RPT % CHM == 0
    nzb = RPT // CHM

    @functools.partial(
        pl.kernel,
        out_type=jax.ShapeDtypeStruct((NC, NPAD, D), jnp.float32),
        mesh=_mesh(),
        scratch_types=[
            pltpu.VMEM((CMAX, CHM), jnp.int32),
            pltpu.VMEM((CMAX, CHM), jnp.int32),
            pltpu.VMEM((CHM, D), jnp.float32),
            pltpu.VMEM((CHM, D), jnp.float32),
            pltpu.VMEM_SHARED((NPAD, D), jnp.float32),
            pltpu.SemaphoreType.DMA,
            pltpu.SemaphoreType.DMA,
        ],
        compiler_params=pltpu.CompilerParams(use_tc_tiling_on_sc=False))
    def mp_kernel(h_hbm, src0_hbm, dst0_hbm, src1_hbm, dst1_hbm, out_hbm,
                  src_v, dst_v, rows0_v, rows1_v, agg_s, sem0, sem1):
        cid = lax.axis_index("c")
        sid = lax.axis_index("s")

        @pl.when(cid == 0)
        def _():
            pltpu.sync_copy(src0_hbm.at[sid], src_v.at[pl.ds(0, C0)])
            pltpu.sync_copy(dst0_hbm.at[sid], dst_v.at[pl.ds(0, C0)])

        @pl.when(cid == 1)
        def _():
            pltpu.sync_copy(src1_hbm.at[sid], src_v.at[pl.ds(0, C1)])
            pltpu.sync_copy(dst1_hbm.at[sid], dst_v.at[pl.ds(0, C1)])

        def zrow(r, carry):
            def zcol(ci, c2):
                rows0_v[r, pl.ds(ci * 16, 16)] = jnp.zeros((16,), jnp.float32)
                return c2
            return lax.fori_loop(0, D // 16, zcol, carry)
        lax.fori_loop(0, CHM, zrow, 0)

        def zcopy(b, carry):
            pltpu.sync_copy(rows0_v, agg_s.at[pl.ds(sid * RPT + b * CHM, CHM)])
            return carry
        lax.fori_loop(0, nzb, zcopy, 0)
        plsc.subcore_barrier()

        def gather(j, buf, sem):
            return pltpu.make_async_copy(h_hbm.at[src_v.at[j]], buf, sem)

        def scatter(j, buf):
            pltpu.sync_copy(buf, agg_s.at[dst_v.at[j]], add=True)

        @pl.when(cid == 0)
        def _():
            gather(0, rows0_v, sem0).start()

            def body(t, carry):
                j = 2 * t
                gather(j + 1, rows1_v, sem1).start()
                gather(j, rows0_v, sem0).wait()
                scatter(j, rows0_v)

                @pl.when(j + 2 < C0)
                def _():
                    gather(j + 2, rows0_v, sem0).start()
                gather(j + 1, rows1_v, sem1).wait()
                scatter(j + 1, rows1_v)
                return carry
            lax.fori_loop(0, C0 // 2, body, 0)

        @pl.when(cid == 1)
        def _():
            def body(j, carry):
                gather(j, rows0_v, sem0).start()
                gather(j, rows0_v, sem0).wait()
                scatter(j, rows0_v)
                return carry
            lax.fori_loop(0, C1, body, 0)
        plsc.subcore_barrier()

        def ecopy(b, carry):
            sl = pl.ds(sid * RPT + b * CHM, CHM)
            pltpu.sync_copy(agg_s.at[sl], rows0_v)
            pltpu.sync_copy(rows0_v, out_hbm.at[cid, sl])
            return carry
        lax.fori_loop(0, nzb, ecopy, 0)

    return mp_kernel


def _scale_x_block(x_ref, deg_ref, o_ref):
    ns = lax.rsqrt(jnp.maximum(deg_ref[0, :, 0:1], 1.0))
    o_ref[...] = x_ref[...] * ns


def _layer_block(scale_out, agg_ref, deg_ref, w_ref, b_ref, o_ref):
    a = agg_ref[0] + agg_ref[1]
    nd = lax.rsqrt(jnp.maximum(deg_ref[1, :, 0:1], 1.0))
    z = a * nd
    y = jnp.dot(z, w_ref[...], preferred_element_type=jnp.float32) + b_ref[...]
    h = jnp.maximum(y, 0.0)
    if scale_out:
        ns = lax.rsqrt(jnp.maximum(deg_ref[0, :, 0:1], 1.0))
        h = h * ns
    o_ref[...] = h


def _scale_x(x_pad, deg, NPAD, D, RB):
    g = NPAD // RB
    return pl.pallas_call(
        _scale_x_block,
        grid=(g,),
        in_specs=[
            pl.BlockSpec((RB, D), lambda i: (i, 0)),
            pl.BlockSpec((NC, RB, DEGW), lambda i: (0, i, 0)),
        ],
        out_specs=pl.BlockSpec((RB, D), lambda i: (i, 0)),
        out_shape=jax.ShapeDtypeStruct((NPAD, D), jnp.float32),
    )(x_pad, deg)


def _layer(agg, deg, W, b, scale_out, NPAD, D, RB):
    g = NPAD // RB
    return pl.pallas_call(
        functools.partial(_layer_block, scale_out),
        grid=(g,),
        in_specs=[
            pl.BlockSpec((NC, RB, D), lambda i: (0, i, 0)),
            pl.BlockSpec((NC, RB, DEGW), lambda i: (0, i, 0)),
            pl.BlockSpec((D, D), lambda i: (0, 0)),
            pl.BlockSpec((1, D), lambda i: (0, 0)),
        ],
        out_specs=pl.BlockSpec((RB, D), lambda i: (i, 0)),
        out_shape=jax.ShapeDtypeStruct((NPAD, D), jnp.float32),
    )(agg, deg, W, b)


def kernel(x, edge_index, W1, b1, W2, b2):
    N, D = x.shape
    E = edge_index.shape[1]

    RB = 1024
    NPAD = -(-(N + 1) // (NS * CH)) * (NS * CH)
    while NPAD % RB != 0:
        NPAD += NS * CH
    RPT = NPAD // NS

    src = edge_index[0]
    dst = edge_index[1]

    CT = -(-E // (NS * CHM))
    C0 = max(2, min(int(CT * 0.69), E // (NS * CHM)))
    C0 += C0 % 2
    C1 = max(1, CT - C0)
    while NS * CHM * (C0 + C1) < E:
        C1 += 1
    E0 = NS * CHM * C0
    pad1 = NS * CHM * C1 - (E - E0)
    fill1 = jnp.full((pad1,), N, jnp.int32)
    src0 = src[:E0].reshape(NS, C0, CHM)
    dst0 = dst[:E0].reshape(NS, C0, CHM)
    src1 = jnp.concatenate([src[E0:], fill1]).reshape(NS, C1, CHM)
    dst1 = jnp.concatenate([dst[E0:], fill1]).reshape(NS, C1, CHM)

    Cd = -(-E // (NS * CH))
    padd = NS * Cd * CH - E
    filld = jnp.full((padd,), N, jnp.int32)
    srcd = jnp.concatenate([src, filld]).reshape(NS, Cd, CH)
    dstd = jnp.concatenate([dst, filld]).reshape(NS, Cd, CH)
    srcdst = jnp.stack([srcd, dstd]).reshape(NC * NS, Cd, CH)

    x_pad = jnp.pad(x, ((0, NPAD - N), (0, 0)))

    deg_k = _make_deg_kernel(Cd, NPAD, RPT)
    mp_k = _make_mp_kernel(C0, C1, NPAD, RPT, D)

    ones8 = jnp.ones((CH, DEGW), jnp.float32)
    zeros8 = jnp.zeros((RPT, DEGW), jnp.float32)
    deg = deg_k(srcdst, ones8, zeros8)
    h0 = _scale_x(x_pad, deg, NPAD, D, RB)
    agg1 = mp_k(h0, src0, dst0, src1, dst1)
    h1 = _layer(agg1, deg, W1, b1.reshape(1, D), True, NPAD, D, RB)
    agg2 = mp_k(h1, src0, dst0, src1, dst1)
    out = _layer(agg2, deg, W2, b2.reshape(1, D), False, NPAD, D, RB)
    return out[:N]

# --- scband reference (transcript-rebuilt; emitter-appended) ---
"""Pipeline reference for scband-gcn-30588757082545 (READ-ONLY COPY).

The authoritative reference and input builder live on the scoring server;
editing this copy changes nothing except your own understanding.
"""

import jax, jax.numpy as jnp
import numpy as np

N = 10000
E = 320000
D_IN = 128
D_HID = 128
D_OUT = 128

def setup_inputs(seed: int = 0) -> dict:
    key = jax.random.key(seed)
    k1, k2, k3, k4, k5, k6 = jax.random.split(key, 6)
    x = jax.random.normal(k1, (N, D_IN), dtype=jnp.float32)
    edge_index = jax.random.randint(k2, (2, E), 0, N, dtype=jnp.int32)
    # GraphConv weights (DGL-style: y = norm * (A_norm @ (x)) @ W + b)
    W1 = jax.random.normal(k3, (D_IN, D_HID), dtype=jnp.float32) * (1.0 / np.sqrt(D_IN))
    b1 = jnp.zeros((D_HID,), dtype=jnp.float32)
    W2 = jax.random.normal(k4, (D_HID, D_OUT), dtype=jnp.float32) * (1.0 / np.sqrt(D_HID))
    b2 = jnp.zeros((D_OUT,), dtype=jnp.float32)
    return {"x": x, "edge_index": edge_index, "W1": W1, "b1": b1, "W2": W2, "b2": b2}

def _graph_conv(h, edge_index, W, b):
    # DGL GraphConv with norm='both': h' = D_in^{-1/2} A D_out^{-1/2} h W + b
    n = h.shape[0]
    src = edge_index[0]
    dst = edge_index[1]
    deg_out = jnp.clip(jnp.bincount(src, length=n).astype(jnp.float32), 1.0, None)
    deg_in = jnp.clip(jnp.bincount(dst, length=n).astype(jnp.float32), 1.0, None)
    norm_src = deg_out ** -0.5
    norm_dst = deg_in ** -0.5
    h = h * norm_src[:, None]
    msgs = jnp.take(h, src, axis=0)
    agg = jax.ops.segment_sum(msgs, dst, num_segments=n)
    agg = agg * norm_dst[:, None]
    return agg @ W + b

def reference(x, edge_index, W1, b1, W2, b2):
    h = _graph_conv(x, edge_index, W1, b1)
    h = jax.nn.relu(h)
    h = _graph_conv(h, edge_index, W2, b2)
    h = jax.nn.relu(h)
    return h

if __name__ == "__main__":
    import jax
    _d = setup_inputs()
    print(jax.jit(kernel)(*tuple(_d.values())))

</pallas_src>

<mosaic_0001>
#map = affine_map<(d0, d1) -> (0, 0, 0)>
#map1 = affine_map<(d0, d1) -> (0, 0)>
module attributes {stable_mosaic.version = 14 : i64} {
  func.func @deg_kernel(%arg0: i32, %arg1: i32, %arg2: memref<32x157x128xi32, #tpu.memory_space<hbm>>, %arg3: memref<128x8xf32, #tpu.memory_space<hbm>>, %arg4: memref<640x8xf32, #tpu.memory_space<hbm>>, %arg5: memref<2x10240x8xf32, #tpu.memory_space<hbm>>, %arg6: memref<157x128xi32, #tpu.memory_space<vmem>>, %arg7: memref<128x8xf32, #tpu.memory_space<vmem>>, %arg8: memref<640x8xf32, #tpu.memory_space<vmem>>, %arg9: memref<10240x8xf32, #tpu.memory_space<vmem_shared>>) attributes {dimension_semantics = [#tpu.dimension_semantics<core_parallel>, #tpu.dimension_semantics<subcore_parallel>], iteration_bounds = array<i64: 2, 16>, scalar_prefetch = 0 : i64, scratch_operands = 4 : i64, tpu.core_type = #tpu.core_type<sc_vector_subcore>, window_params = [{transform_indices = #map}, {transform_indices = #map1}, {transform_indices = #map1}, {transform_indices = #map}]} {
    %mul3A = arith.constant 16 : i32
    %mul3A_0 = arith.muli %arg0, %mul3A : i32
    %add3A = arith.addi %mul3A_0, %arg1 : i32
    "tpu.region"() ({
      %run_scoped3A = tpu.sem_alloc : memref<!tpu.dma_semaphore, #tpu.memory_space<semaphore_mem>>
      %dma_start3A = arith.constant 0 : i32
      %dma_start3A_9 = arith.constant 0 : i32
      %dma_start3A_10 = tpu.memref_slice %arg2[%add3A, %dma_start3A, %dma_start3A_9] : memref<32x157x128xi32, #tpu.memory_space<hbm>> -> memref<1x157x128xi32, #tpu.memory_space<hbm>>
      %dma_start3A_11 = tpu.memref_squeeze %dma_start3A_10 : memref<1x157x128xi32, #tpu.memory_space<hbm>> -> memref<157x128xi32, #tpu.memory_space<hbm>>
      %dma_start3A_12 = arith.constant 0 : i32
      %dma_start3A_13 = arith.constant 0 : i32
      %dma_start3A_14 = tpu.memref_slice %arg2[%add3A, %dma_start3A_12, %dma_start3A_13] : memref<32x157x128xi32, #tpu.memory_space<hbm>> -> memref<1x157x128xi32, #tpu.memory_space<hbm>>
      %dma_start3A_15 = tpu.memref_squeeze %dma_start3A_14 : memref<1x157x128xi32, #tpu.memory_space<hbm>> -> memref<157x128xi32, #tpu.memory_space<hbm>>
      tpu.enqueue_dma source(%dma_start3A_15 : memref<157x128xi32, #tpu.memory_space<hbm>>) target(%arg6 : memref<157x128xi32, #tpu.memory_space<vmem>>) target_semaphore(%run_scoped3A : memref<!tpu.dma_semaphore, #tpu.memory_space<semaphore_mem>>)
      %dma_wait3A = arith.constant 0 : i32
      %dma_wait3A_16 = arith.constant 0 : i32
      %dma_wait3A_17 = tpu.memref_slice %arg2[%add3A, %dma_wait3A, %dma_wait3A_16] : memref<32x157x128xi32, #tpu.memory_space<hbm>> -> memref<1x157x128xi32, #tpu.memory_space<hbm>>
      %dma_wait3A_18 = tpu.memref_squeeze %dma_wait3A_17 : memref<1x157x128xi32, #tpu.memory_space<hbm>> -> memref<157x128xi32, #tpu.memory_space<hbm>>
      %dma_wait3A_19 = arith.constant 0 : i32
      %dma_wait3A_20 = arith.constant 0 : i32
      %dma_wait3A_21 = tpu.memref_slice %arg2[%add3A, %dma_wait3A_19, %dma_wait3A_20] : memref<32x157x128xi32, #tpu.memory_space<hbm>> -> memref<1x157x128xi32, #tpu.memory_space<hbm>>
      %dma_wait3A_22 = tpu.memref_squeeze %dma_wait3A_21 : memref<1x157x128xi32, #tpu.memory_space<hbm>> -> memref<157x128xi32, #tpu.memory_space<hbm>>
      tpu.wait_dma2 semaphore(%run_scoped3A : memref<!tpu.dma_semaphore, #tpu.memory_space<semaphore_mem>>) src(%dma_wait3A_22 : memref<157x128xi32, #tpu.memory_space<hbm>>) dst(%arg6 : memref<157x128xi32, #tpu.memory_space<vmem>>)
      tpu.yield
    }) : () -> ()
    "tpu.region"() ({
      %run_scoped3A = tpu.sem_alloc : memref<!tpu.dma_semaphore, #tpu.memory_space<semaphore_mem>>
      tpu.enqueue_dma source(%arg3 : memref<128x8xf32, #tpu.memory_space<hbm>>) target(%arg7 : memref<128x8xf32, #tpu.memory_space<vmem>>) target_semaphore(%run_scoped3A : memref<!tpu.dma_semaphore, #tpu.memory_space<semaphore_mem>>)
      tpu.wait_dma2 semaphore(%run_scoped3A : memref<!tpu.dma_semaphore, #tpu.memory_space<semaphore_mem>>) src(%arg3 : memref<128x8xf32, #tpu.memory_space<hbm>>) dst(%arg7 : memref<128x8xf32, #tpu.memory_space<vmem>>)
      tpu.yield
    }) : () -> ()
    "tpu.region"() ({
      %run_scoped3A = tpu.sem_alloc : memref<!tpu.dma_semaphore, #tpu.memory_space<semaphore_mem>>
      tpu.enqueue_dma source(%arg4 : memref<640x8xf32, #tpu.memory_space<hbm>>) target(%arg8 : memref<640x8xf32, #tpu.memory_space<vmem>>) target_semaphore(%run_scoped3A : memref<!tpu.dma_semaphore, #tpu.memory_space<semaphore_mem>>)
      tpu.wait_dma2 semaphore(%run_scoped3A : memref<!tpu.dma_semaphore, #tpu.memory_space<semaphore_mem>>) src(%arg4 : memref<640x8xf32, #tpu.memory_space<hbm>>) dst(%arg8 : memref<640x8xf32, #tpu.memory_space<vmem>>)
      tpu.yield
    }) : () -> ()
    %mul3A_1 = arith.constant 640 : i32
    %mul3A_2 = arith.muli %arg1, %mul3A_1 : i32
    "tpu.region"() ({
      %run_scoped3A = tpu.sem_alloc : memref<!tpu.dma_semaphore, #tpu.memory_space<semaphore_mem>>
      %dma_start3A = arith.constant 0 : i32
      %dma_start3A_9 = tpu.memref_slice %arg9[%mul3A_2, %dma_start3A] : memref<10240x8xf32, #tpu.memory_space<vmem_shared>> -> memref<640x8xf32, #tpu.memory_space<vmem_shared>>
      %dma_start3A_10 = arith.constant 0 : i32
      %dma_start3A_11 = tpu.memref_slice %arg9[%mul3A_2, %dma_start3A_10] : memref<10240x8xf32, #tpu.memory_space<vmem_shared>> -> memref<640x8xf32, #tpu.memory_space<vmem_shared>>
      tpu.enqueue_dma source(%arg8 : memref<640x8xf32, #tpu.memory_space<vmem>>) target(%dma_start3A_11 : memref<640x8xf32, #tpu.memory_space<vmem_shared>>) target_semaphore(%run_scoped3A : memref<!tpu.dma_semaphore, #tpu.memory_space<semaphore_mem>>)
      %dma_wait3A = arith.constant 0 : i32
      %dma_wait3A_12 = tpu.memref_slice %arg9[%mul3A_2, %dma_wait3A] : memref<10240x8xf32, #tpu.memory_space<vmem_shared>> -> memref<640x8xf32, #tpu.memory_space<vmem_shared>>
      %dma_wait3A_13 = arith.constant 0 : i32
      %dma_wait3A_14 = tpu.memref_slice %arg9[%mul3A_2, %dma_wait3A_13] : memref<10240x8xf32, #tpu.memory_space<vmem_shared>> -> memref<640x8xf32, #tpu.memory_space<vmem_shared>>
      tpu.wait_dma2 semaphore(%run_scoped3A : memref<!tpu.dma_semaphore, #tpu.memory_space<semaphore_mem>>) src(%arg8 : memref<640x8xf32, #tpu.memory_space<vmem>>) dst(%dma_wait3A_14 : memref<640x8xf32, #tpu.memory_space<vmem_shared>>)
      tpu.yield
    }) : () -> ()
    %barrier3A = arith.constant 0 : index
    tpu.barrier barrier_id(%barrier3A)
    %scan3A = arith.constant 0 : i32
    %scan3A_3 = arith.constant 0 : i32
    %scan3A_4 = arith.constant 157 : i32
    %scan3A_5 = arith.addi %scan3A_3, %scan3A_4 : i32
    %scan3A_6 = arith.constant 1 : i32
    scf.for %scan3A_9 = %scan3A_3 to %scan3A_5 step %scan3A_6  : i32 {
      "tpu.region"() ({
        %run_scoped3A = tpu.sem_alloc : memref<!tpu.dma_semaphore, #tpu.memory_space<semaphore_mem>>
        %dma_start3A = arith.constant 0 : i32
        %dma_start3A_10 = tpu.memref_slice %arg6[%scan3A_9, %dma_start3A] : memref<157x128xi32, #tpu.memory_space<vmem>> -> memref<1x128xi32, #tpu.memory_space<vmem>>
        %dma_start3A_11 = tpu.memref_squeeze %dma_start3A_10 : memref<1x128xi32, #tpu.memory_space<vmem>> -> memref<128xi32, #tpu.memory_space<vmem>>
        %dma_start3A_12 = arith.constant 0 : i32
        %dma_start3A_13 = arith.constant 0 : i32
        %dma_start3A_14 = tpu.memref_slice %arg9[%dma_start3A_12, %dma_start3A_13] : memref<10240x8xf32, #tpu.memory_space<vmem_shared>> -> memref<10240x8xf32, #tpu.memory_space<vmem_shared>>
        tpu.enqueue_indirect_dma source(%arg7 : memref<128x8xf32, #tpu.memory_space<vmem>>) target(%dma_start3A_14 : memref<10240x8xf32, #tpu.memory_space<vmem_shared>>) offsets(%dma_start3A_11 : memref<128xi32, #tpu.memory_space<vmem>>) semaphore(%run_scoped3A : memref<!tpu.dma_semaphore, #tpu.memory_space<semaphore_mem>>) {add = true}
        %dma_wait3A = arith.constant 0 : i32
        %dma_wait3A_15 = tpu.memref_slice %arg6[%scan3A_9, %dma_wait3A] : memref<157x128xi32, #tpu.memory_space<vmem>> -> memref<1x128xi32, #tpu.memory_space<vmem>>
        %dma_wait3A_16 = tpu.memref_squeeze %dma_wait3A_15 : memref<1x128xi32, #tpu.memory_space<vmem>> -> memref<128xi32, #tpu.memory_space<vmem>>
        %dma_wait3A_17 = arith.constant 0 : i32
        %dma_wait3A_18 = arith.constant 0 : i32
        %dma_wait3A_19 = tpu.memref_slice %arg9[%dma_wait3A_17, %dma_wait3A_18] : memref<10240x8xf32, #tpu.memory_space<vmem_shared>> -> memref<10240x8xf32, #tpu.memory_space<vmem_shared>>
        tpu.wait_indirect_dma semaphore(%run_scoped3A : memref<!tpu.dma_semaphore, #tpu.memory_space<semaphore_mem>>) src(%arg7 : memref<128x8xf32, #tpu.memory_space<vmem>>) dst(%dma_wait3A_19 : memref<10240x8xf32, #tpu.memory_space<vmem_shared>>)
        tpu.yield
      }) : () -> ()
    }
    %scan3A_7 = arith.constant 157 : i32
    %barrier3A_8 = arith.constant 0 : index
    tpu.barrier barrier_id(%barrier3A_8)
    "tpu.region"() ({
      %run_scoped3A = tpu.sem_alloc : memref<!tpu.dma_semaphore, #tpu.memory_space<semaphore_mem>>
      %dma_start3A = arith.constant 0 : i32
      %dma_start3A_9 = tpu.memref_slice %arg9[%mul3A_2, %dma_start3A] : memref<10240x8xf32, #tpu.memory_space<vmem_shared>> -> memref<640x8xf32, #tpu.memory_space<vmem_shared>>
      %dma_start3A_10 = arith.constant 0 : i32
      %dma_start3A_11 = tpu.memref_slice %arg9[%mul3A_2, %dma_start3A_10] : memref<10240x8xf32, #tpu.memory_space<vmem_shared>> -> memref<640x8xf32, #tpu.memory_space<vmem_shared>>
      tpu.enqueue_dma source(%dma_start3A_11 : memref<640x8xf32, #tpu.memory_space<vmem_shared>>) target(%arg8 : memref<640x8xf32, #tpu.memory_space<vmem>>) target_semaphore(%run_scoped3A : memref<!tpu.dma_semaphore, #tpu.memory_space<semaphore_mem>>)
      %dma_wait3A = arith.constant 0 : i32
      %dma_wait3A_12 = tpu.memref_slice %arg9[%mul3A_2, %dma_wait3A] : memref<10240x8xf32, #tpu.memory_space<vmem_shared>> -> memref<640x8xf32, #tpu.memory_space<vmem_shared>>
      %dma_wait3A_13 = arith.constant 0 : i32
      %dma_wait3A_14 = tpu.memref_slice %arg9[%mul3A_2, %dma_wait3A_13] : memref<10240x8xf32, #tpu.memory_space<vmem_shared>> -> memref<640x8xf32, #tpu.memory_space<vmem_shared>>
      tpu.wait_dma2 semaphore(%run_scoped3A : memref<!tpu.dma_semaphore, #tpu.memory_space<semaphore_mem>>) src(%dma_wait3A_14 : memref<640x8xf32, #tpu.memory_space<vmem_shared>>) dst(%arg8 : memref<640x8xf32, #tpu.memory_space<vmem>>)
      tpu.yield
    }) : () -> ()
    "tpu.region"() ({
      %run_scoped3A = tpu.sem_alloc : memref<!tpu.dma_semaphore, #tpu.memory_space<semaphore_mem>>
      %dma_start3A = arith.constant 0 : i32
      %dma_start3A_9 = tpu.memref_slice %arg5[%arg0, %mul3A_2, %dma_start3A] : memref<2x10240x8xf32, #tpu.memory_space<hbm>> -> memref<1x640x8xf32, #tpu.memory_space<hbm>>
      %dma_start3A_10 = tpu.memref_squeeze %dma_start3A_9 : memref<1x640x8xf32, #tpu.memory_space<hbm>> -> memref<640x8xf32, #tpu.memory_space<hbm>>
      %dma_start3A_11 = arith.constant 0 : i32
      %dma_start3A_12 = tpu.memref_slice %arg5[%arg0, %mul3A_2, %dma_start3A_11] : memref<2x10240x8xf32, #tpu.memory_space<hbm>> -> memref<1x640x8xf32, #tpu.memory_space<hbm>>
      %dma_start3A_13 = tpu.memref_squeeze %dma_start3A_12 : memref<1x640x8xf32, #tpu.memory_space<hbm>> -> memref<640x8xf32, #tpu.memory_space<hbm>>
      tpu.enqueue_dma source(%arg8 : memref<640x8xf32, #tpu.memory_space<vmem>>) target(%dma_start3A_13 : memref<640x8xf32, #tpu.memory_space<hbm>>) target_semaphore(%run_scoped3A : memref<!tpu.dma_semaphore, #tpu.memory_space<semaphore_mem>>)
      %dma_wait3A = arith.constant 0 : i32
      %dma_wait3A_14 = tpu.memref_slice %arg5[%arg0, %mul3A_2, %dma_wait3A] : memref<2x10240x8xf32, #tpu.memory_space<hbm>> -> memref<1x640x8xf32, #tpu.memory_space<hbm>>
      %dma_wait3A_15 = tpu.memref_squeeze %dma_wait3A_14 : memref<1x640x8xf32, #tpu.memory_space<hbm>> -> memref<640x8xf32, #tpu.memory_space<hbm>>
      %dma_wait3A_16 = arith.constant 0 : i32
      %dma_wait3A_17 = tpu.memref_slice %arg5[%arg0, %mul3A_2, %dma_wait3A_16] : memref<2x10240x8xf32, #tpu.memory_space<hbm>> -> memref<1x640x8xf32, #tpu.memory_space<hbm>>
      %dma_wait3A_18 = tpu.memref_squeeze %dma_wait3A_17 : memref<1x640x8xf32, #tpu.memory_space<hbm>> -> memref<640x8xf32, #tpu.memory_space<hbm>>
      tpu.wait_dma2 semaphore(%run_scoped3A : memref<!tpu.dma_semaphore, #tpu.memory_space<semaphore_mem>>) src(%arg8 : memref<640x8xf32, #tpu.memory_space<vmem>>) dst(%dma_wait3A_18 : memref<640x8xf32, #tpu.memory_space<hbm>>)
      tpu.yield
    }) : () -> ()
    return
  }
}

#map = affine_map<(d0, d1) -> (0, 0)>
#map1 = affine_map<(d0, d1) -> (0, 0, 0)>
module attributes {stable_mosaic.version = 14 : i64} {
  func.func @mp_kernel(%arg0: i32, %arg1: i32, %arg2: memref<10240x128xf32, #tpu.memory_space<hbm>>, %arg3: memref<16x172x80xi32, #tpu.memory_space<hbm>>, %arg4: memref<16x172x80xi32, #tpu.memory_space<hbm>>, %arg5: memref<16x78x80xi32, #tpu.memory_space<hbm>>, %arg6: memref<16x78x80xi32, #tpu.memory_space<hbm>>, %arg7: memref<2x10240x128xf32, #tpu.memory_space<hbm>>, %arg8: memref<172x80xi32, #tpu.memory_space<vmem>>, %arg9: memref<172x80xi32, #tpu.memory_space<vmem>>, %arg10: memref<80x128xf32, #tpu.memory_space<vmem>>, %arg11: memref<80x128xf32, #tpu.memory_space<vmem>>, %arg12: memref<10240x128xf32, #tpu.memory_space<vmem_shared>>, %arg13: memref<!tpu.dma_semaphore, #tpu.memory_space<semaphore_mem>>, %arg14: memref<!tpu.dma_semaphore, #tpu.memory_space<semaphore_mem>>) attributes {dimension_semantics = [#tpu.dimension_semantics<core_parallel>, #tpu.dimension_semantics<subcore_parallel>], iteration_bounds = array<i64: 2, 16>, scalar_prefetch = 0 : i64, scratch_operands = 7 : i64, tpu.core_type = #tpu.core_type<sc_vector_subcore>, window_params = [{transform_indices = #map}, {transform_indices = #map1}, {transform_indices = #map1}, {transform_indices = #map1}, {transform_indices = #map1}, {transform_indices = #map1}]} {
    %eq3A = arith.constant 0 : i32
    %eq3A_0 = arith.cmpi eq, %arg0, %eq3A : i32
    %convert_element_type3A = arith.extui %eq3A_0 : i1 to i32
    %cond3A = arith.constant 0 : i32
    %cond3A_1 = arith.cmpi ne, %convert_element_type3A, %cond3A : i32
    scf.if %cond3A_1 {
      "tpu.region"() ({
        %run_scoped3A = tpu.sem_alloc : memref<!tpu.dma_semaphore, #tpu.memory_space<semaphore_mem>>
        %dma_start3A = arith.constant 0 : i32
        %dma_start3A_35 = arith.constant 0 : i32
        %dma_start3A_36 = tpu.memref_slice %arg8[%dma_start3A, %dma_start3A_35] : memref<172x80xi32, #tpu.memory_space<vmem>> -> memref<172x80xi32, #tpu.memory_space<vmem>>
        %dma_start3A_37 = arith.constant 0 : i32
        %dma_start3A_38 = arith.constant 0 : i32
        %dma_start3A_39 = tpu.memref_slice %arg3[%arg1, %dma_start3A_37, %dma_start3A_38] : memref<16x172x80xi32, #tpu.memory_space<hbm>> -> memref<1x172x80xi32, #tpu.memory_space<hbm>>
        %dma_start3A_40 = tpu.memref_squeeze %dma_start3A_39 : memref<1x172x80xi32, #tpu.memory_space<hbm>> -> memref<172x80xi32, #tpu.memory_space<hbm>>
        %dma_start3A_41 = arith.constant 0 : i32
        %dma_start3A_42 = arith.constant 0 : i32
        %dma_start3A_43 = tpu.memref_slice %arg8[%dma_start3A_41, %dma_start3A_42] : memref<172x80xi32, #tpu.memory_space<vmem>> -> memref<172x80xi32, #tpu.memory_space<vmem>>
        %dma_start3A_44 = arith.constant 0 : i32
        %dma_start3A_45 = arith.constant 0 : i32
        %dma_start3A_46 = tpu.memref_slice %arg3[%arg1, %dma_start3A_44, %dma_start3A_45] : memref<16x172x80xi32, #tpu.memory_space<hbm>> -> memref<1x172x80xi32, #tpu.memory_space<hbm>>
        %dma_start3A_47 = tpu.memref_squeeze %dma_start3A_46 : memref<1x172x80xi32, #tpu.memory_space<hbm>> -> memref<172x80xi32, #tpu.memory_space<hbm>>
        tpu.enqueue_dma source(%dma_start3A_47 : memref<172x80xi32, #tpu.memory_space<hbm>>) target(%dma_start3A_43 : memref<172x80xi32, #tpu.memory_space<vmem>>) target_semaphore(%run_scoped3A : memref<!tpu.dma_semaphore, #tpu.memory_space<semaphore_mem>>)
        %dma_wait3A = arith.constant 0 : i32
        %dma_wait3A_48 = arith.constant 0 : i32
        %dma_wait3A_49 = tpu.memref_slice %arg8[%dma_wait3A, %dma_wait3A_48] : memref<172x80xi32, #tpu.memory_space<vmem>> -> memref<172x80xi32, #tpu.memory_space<vmem>>
        %dma_wait3A_50 = arith.constant 0 : i32
        %dma_wait3A_51 = arith.constant 0 : i32
        %dma_wait3A_52 = tpu.memref_slice %arg3[%arg1, %dma_wait3A_50, %dma_wait3A_51] : memref<16x172x80xi32, #tpu.memory_space<hbm>> -> memref<1x172x80xi32, #tpu.memory_space<hbm>>
        %dma_wait3A_53 = tpu.memref_squeeze %dma_wait3A_52 : memref<1x172x80xi32, #tpu.memory_space<hbm>> -> memref<172x80xi32, #tpu.memory_space<hbm>>
        %dma_wait3A_54 = arith.constant 0 : i32
        %dma_wait3A_55 = arith.constant 0 : i32
        %dma_wait3A_56 = tpu.memref_slice %arg8[%dma_wait3A_54, %dma_wait3A_55] : memref<172x80xi32, #tpu.memory_space<vmem>> -> memref<172x80xi32, #tpu.memory_space<vmem>>
        %dma_wait3A_57 = arith.constant 0 : i32
        %dma_wait3A_58 = arith.constant 0 : i32
        %dma_wait3A_59 = tpu.memref_slice %arg3[%arg1, %dma_wait3A_57, %dma_wait3A_58] : memref<16x172x80xi32, #tpu.memory_space<hbm>> -> memref<1x172x80xi32, #tpu.memory_space<hbm>>
        %dma_wait3A_60 = tpu.memref_squeeze %dma_wait3A_59 : memref<1x172x80xi32, #tpu.memory_space<hbm>> -> memref<172x80xi32, #tpu.memory_space<hbm>>
        tpu.wait_dma2 semaphore(%run_scoped3A : memref<!tpu.dma_semaphore, #tpu.memory_space<semaphore_mem>>) src(%dma_wait3A_60 : memref<172x80xi32, #tpu.memory_space<hbm>>) dst(%dma_wait3A_56 : memref<172x80xi32, #tpu.memory_space<vmem>>)
        tpu.yield
      }) : () -> ()
      "tpu.region"() ({
        %run_scoped3A = tpu.sem_alloc : memref<!tpu.dma_semaphore, #tpu.memory_space<semaphore_mem>>
        %dma_start3A = arith.constant 0 : i32
        %dma_start3A_35 = arith.constant 0 : i32
        %dma_start3A_36 = tpu.memref_slice %arg9[%dma_start3A, %dma_start3A_35] : memref<172x80xi32, #tpu.memory_space<vmem>> -> memref<172x80xi32, #tpu.memory_space<vmem>>
        %dma_start3A_37 = arith.constant 0 : i32
        %dma_start3A_38 = arith.constant 0 : i32
        %dma_start3A_39 = tpu.memref_slice %arg4[%arg1, %dma_start3A_37, %dma_start3A_38] : memref<16x172x80xi32, #tpu.memory_space<hbm>> -> memref<1x172x80xi32, #tpu.memory_space<hbm>>
        %dma_start3A_40 = tpu.memref_squeeze %dma_start3A_39 : memref<1x172x80xi32, #tpu.memory_space<hbm>> -> memref<172x80xi32, #tpu.memory_space<hbm>>
        %dma_start3A_41 = arith.constant 0 : i32
        %dma_start3A_42 = arith.constant 0 : i32
        %dma_start3A_43 = tpu.memref_slice %arg9[%dma_start3A_41, %dma_start3A_42] : memref<172x80xi32, #tpu.memory_space<vmem>> -> memref<172x80xi32, #tpu.memory_space<vmem>>
        %dma_start3A_44 = arith.constant 0 : i32
        %dma_start3A_45 = arith.constant 0 : i32
        %dma_start3A_46 = tpu.memref_slice %arg4[%arg1, %dma_start3A_44, %dma_start3A_45] : memref<16x172x80xi32, #tpu.memory_space<hbm>> -> memref<1x172x80xi32, #tpu.memory_space<hbm>>
        %dma_start3A_47 = tpu.memref_squeeze %dma_start3A_46 : memref<1x172x80xi32, #tpu.memory_space<hbm>> -> memref<172x80xi32, #tpu.memory_space<hbm>>
        tpu.enqueue_dma source(%dma_start3A_47 : memref<172x80xi32, #tpu.memory_space<hbm>>) target(%dma_start3A_43 : memref<172x80xi32, #tpu.memory_space<vmem>>) target_semaphore(%run_scoped3A : memref<!tpu.dma_semaphore, #tpu.memory_space<semaphore_mem>>)
        %dma_wait3A = arith.constant 0 : i32
        %dma_wait3A_48 = arith.constant 0 : i32
        %dma_wait3A_49 = tpu.memref_slice %arg9[%dma_wait3A, %dma_wait3A_48] : memref<172x80xi32, #tpu.memory_space<vmem>> -> memref<172x80xi32, #tpu.memory_space<vmem>>
        %dma_wait3A_50 = arith.constant 0 : i32
        %dma_wait3A_51 = arith.constant 0 : i32
        %dma_wait3A_52 = tpu.memref_slice %arg4[%arg1, %dma_wait3A_50, %dma_wait3A_51] : memref<16x172x80xi32, #tpu.memory_space<hbm>> -> memref<1x172x80xi32, #tpu.memory_space<hbm>>
        %dma_wait3A_53 = tpu.memref_squeeze %dma_wait3A_52 : memref<1x172x80xi32, #tpu.memory_space<hbm>> -> memref<172x80xi32, #tpu.memory_space<hbm>>
        %dma_wait3A_54 = arith.constant 0 : i32
        %dma_wait3A_55 = arith.constant 0 : i32
        %dma_wait3A_56 = tpu.memref_slice %arg9[%dma_wait3A_54, %dma_wait3A_55] : memref<172x80xi32, #tpu.memory_space<vmem>> -> memref<172x80xi32, #tpu.memory_space<vmem>>
        %dma_wait3A_57 = arith.constant 0 : i32
        %dma_wait3A_58 = arith.constant 0 : i32
        %dma_wait3A_59 = tpu.memref_slice %arg4[%arg1, %dma_wait3A_57, %dma_wait3A_58] : memref<16x172x80xi32, #tpu.memory_space<hbm>> -> memref<1x172x80xi32, #tpu.memory_space<hbm>>
        %dma_wait3A_60 = tpu.memref_squeeze %dma_wait3A_59 : memref<1x172x80xi32, #tpu.memory_space<hbm>> -> memref<172x80xi32, #tpu.memory_space<hbm>>
        tpu.wait_dma2 semaphore(%run_scoped3A : memref<!tpu.dma_semaphore, #tpu.memory_space<semaphore_mem>>) src(%dma_wait3A_60 : memref<172x80xi32, #tpu.memory_space<hbm>>) dst(%dma_wait3A_56 : memref<172x80xi32, #tpu.memory_space<vmem>>)
        tpu.yield
      }) : () -> ()
    } else {
    }
    %eq3A_2 = arith.constant 1 : i32
    %eq3A_3 = arith.cmpi eq, %arg0, %eq3A_2 : i32
    %convert_element_type3A_4 = arith.extui %eq3A_3 : i1 to i32
    %cond3A_5 = arith.constant 0 : i32
    %cond3A_6 = arith.cmpi ne, %convert_element_type3A_4, %cond3A_5 : i32
    scf.if %cond3A_6 {
      "tpu.region"() ({
        %run_scoped3A = tpu.sem_alloc : memref<!tpu.dma_semaphore, #tpu.memory_space<semaphore_mem>>
        %dma_start3A = arith.constant 0 : i32
        %dma_start3A_35 = arith.constant 0 : i32
        %dma_start3A_36 = tpu.memref_slice %arg8[%dma_start3A, %dma_start3A_35] : memref<172x80xi32, #tpu.memory_space<vmem>> -> memref<78x80xi32, #tpu.memory_space<vmem>>
        %dma_start3A_37 = arith.constant 0 : i32
        %dma_start3A_38 = arith.constant 0 : i32
        %dma_start3A_39 = tpu.memref_slice %arg5[%arg1, %dma_start3A_37, %dma_start3A_38] : memref<16x78x80xi32, #tpu.memory_space<hbm>> -> memref<1x78x80xi32, #tpu.memory_space<hbm>>
        %dma_start3A_40 = tpu.memref_squeeze %dma_start3A_39 : memref<1x78x80xi32, #tpu.memory_space<hbm>> -> memref<78x80xi32, #tpu.memory_space<hbm>>
        %dma_start3A_41 = arith.constant 0 : i32
        %dma_start3A_42 = arith.constant 0 : i32
        %dma_start3A_43 = tpu.memref_slice %arg8[%dma_start3A_41, %dma_start3A_42] : memref<172x80xi32, #tpu.memory_space<vmem>> -> memref<78x80xi32, #tpu.memory_space<vmem>>
        %dma_start3A_44 = arith.constant 0 : i32
        %dma_start3A_45 = arith.constant 0 : i32
        %dma_start3A_46 = tpu.memref_slice %arg5[%arg1, %dma_start3A_44, %dma_start3A_45] : memref<16x78x80xi32, #tpu.memory_space<hbm>> -> memref<1x78x80xi32, #tpu.memory_space<hbm>>
        %dma_start3A_47 = tpu.memref_squeeze %dma_start3A_46 : memref<1x78x80xi32, #tpu.memory_space<hbm>> -> memref<78x80xi32, #tpu.memory_space<hbm>>
        tpu.enqueue_dma source(%dma_start3A_47 : memref<78x80xi32, #tpu.memory_space<hbm>>) target(%dma_start3A_43 : memref<78x80xi32, #tpu.memory_space<vmem>>) target_semaphore(%run_scoped3A : memref<!tpu.dma_semaphore, #tpu.memory_space<semaphore_mem>>)
        %dma_wait3A = arith.constant 0 : i32
        %dma_wait3A_48 = arith.constant 0 : i32
        %dma_wait3A_49 = tpu.memref_slice %arg8[%dma_wait3A, %dma_wait3A_48] : memref<172x80xi32, #tpu.memory_space<vmem>> -> memref<78x80xi32, #tpu.memory_space<vmem>>
        %dma_wait3A_50 = arith.constant 0 : i32
        %dma_wait3A_51 = arith.constant 0 : i32
        %dma_wait3A_52 = tpu.memref_slice %arg5[%arg1, %dma_wait3A_50, %dma_wait3A_51] : memref<16x78x80xi32, #tpu.memory_space<hbm>> -> memref<1x78x80xi32, #tpu.memory_space<hbm>>
        %dma_wait3A_53 = tpu.memref_squeeze %dma_wait3A_52 : memref<1x78x80xi32, #tpu.memory_space<hbm>> -> memref<78x80xi32, #tpu.memory_space<hbm>>
        %dma_wait3A_54 = arith.constant 0 : i32
        %dma_wait3A_55 = arith.constant 0 : i32
        %dma_wait3A_56 = tpu.memref_slice %arg8[%dma_wait3A_54, %dma_wait3A_55] : memref<172x80xi32, #tpu.memory_space<vmem>> -> memref<78x80xi32, #tpu.memory_space<vmem>>
        %dma_wait3A_57 = arith.constant 0 : i32
        %dma_wait3A_58 = arith.constant 0 : i32
        %dma_wait3A_59 = tpu.memref_slice %arg5[%arg1, %dma_wait3A_57, %dma_wait3A_58] : memref<16x78x80xi32, #tpu.memory_space<hbm>> -> memref<1x78x80xi32, #tpu.memory_space<hbm>>
        %dma_wait3A_60 = tpu.memref_squeeze %dma_wait3A_59 : memref<1x78x80xi32, #tpu.memory_space<hbm>> -> memref<78x80xi32, #tpu.memory_space<hbm>>
        tpu.wait_dma2 semaphore(%run_scoped3A : memref<!tpu.dma_semaphore, #tpu.memory_space<semaphore_mem>>) src(%dma_wait3A_60 : memref<78x80xi32, #tpu.memory_space<hbm>>) dst(%dma_wait3A_56 : memref<78x80xi32, #tpu.memory_space<vmem>>)
        tpu.yield
      }) : () -> ()
      "tpu.region"() ({
        %run_scoped3A = tpu.sem_alloc : memref<!tpu.dma_semaphore, #tpu.memory_space<semaphore_mem>>
        %dma_start3A = arith.constant 0 : i32
        %dma_start3A_35 = arith.constant 0 : i32
        %dma_start3A_36 = tpu.memref_slice %arg9[%dma_start3A, %dma_start3A_35] : memref<172x80xi32, #tpu.memory_space<vmem>> -> memref<78x80xi32, #tpu.memory_space<vmem>>
        %dma_start3A_37 = arith.constant 0 : i32
        %dma_start3A_38 = arith.constant 0 : i32
        %dma_start3A_39 = tpu.memref_slice %arg6[%arg1, %dma_start3A_37, %dma_start3A_38] : memref<16x78x80xi32, #tpu.memory_space<hbm>> -> memref<1x78x80xi32, #tpu.memory_space<hbm>>
        %dma_start3A_40 = tpu.memref_squeeze %dma_start3A_39 : memref<1x78x80xi32, #tpu.memory_space<hbm>> -> memref<78x80xi32, #tpu.memory_space<hbm>>
        %dma_start3A_41 = arith.constant 0 : i32
        %dma_start3A_42 = arith.constant 0 : i32
        %dma_start3A_43 = tpu.memref_slice %arg9[%dma_start3A_41, %dma_start3A_42] : memref<172x80xi32, #tpu.memory_space<vmem>> -> memref<78x80xi32, #tpu.memory_space<vmem>>
        %dma_start3A_44 = arith.constant 0 : i32
        %dma_start3A_45 = arith.constant 0 : i32
        %dma_start3A_46 = tpu.memref_slice %arg6[%arg1, %dma_start3A_44, %dma_start3A_45] : memref<16x78x80xi32, #tpu.memory_space<hbm>> -> memref<1x78x80xi32, #tpu.memory_space<hbm>>
        %dma_start3A_47 = tpu.memref_squeeze %dma_start3A_46 : memref<1x78x80xi32, #tpu.memory_space<hbm>> -> memref<78x80xi32, #tpu.memory_space<hbm>>
        tpu.enqueue_dma source(%dma_start3A_47 : memref<78x80xi32, #tpu.memory_space<hbm>>) target(%dma_start3A_43 : memref<78x80xi32, #tpu.memory_space<vmem>>) target_semaphore(%run_scoped3A : memref<!tpu.dma_semaphore, #tpu.memory_space<semaphore_mem>>)
        %dma_wait3A = arith.constant 0 : i32
        %dma_wait3A_48 = arith.constant 0 : i32
        %dma_wait3A_49 = tpu.memref_slice %arg9[%dma_wait3A, %dma_wait3A_48] : memref<172x80xi32, #tpu.memory_space<vmem>> -> memref<78x80xi32, #tpu.memory_space<vmem>>
        %dma_wait3A_50 = arith.constant 0 : i32
        %dma_wait3A_51 = arith.constant 0 : i32
        %dma_wait3A_52 = tpu.memref_slice %arg6[%arg1, %dma_wait3A_50, %dma_wait3A_51] : memref<16x78x80xi32, #tpu.memory_space<hbm>> -> memref<1x78x80xi32, #tpu.memory_space<hbm>>
        %dma_wait3A_53 = tpu.memref_squeeze %dma_wait3A_52 : memref<1x78x80xi32, #tpu.memory_space<hbm>> -> memref<78x80xi32, #tpu.memory_space<hbm>>
        %dma_wait3A_54 = arith.constant 0 : i32
        %dma_wait3A_55 = arith.constant 0 : i32
        %dma_wait3A_56 = tpu.memref_slice %arg9[%dma_wait3A_54, %dma_wait3A_55] : memref<172x80xi32, #tpu.memory_space<vmem>> -> memref<78x80xi32, #tpu.memory_space<vmem>>
        %dma_wait3A_57 = arith.constant 0 : i32
        %dma_wait3A_58 = arith.constant 0 : i32
        %dma_wait3A_59 = tpu.memref_slice %arg6[%arg1, %dma_wait3A_57, %dma_wait3A_58] : memref<16x78x80xi32, #tpu.memory_space<hbm>> -> memref<1x78x80xi32, #tpu.memory_space<hbm>>
        %dma_wait3A_60 = tpu.memref_squeeze %dma_wait3A_59 : memref<1x78x80xi32, #tpu.memory_space<hbm>> -> memref<78x80xi32, #tpu.memory_space<hbm>>
        tpu.wait_dma2 semaphore(%run_scoped3A : memref<!tpu.dma_semaphore, #tpu.memory_space<semaphore_mem>>) src(%dma_wait3A_60 : memref<78x80xi32, #tpu.memory_space<hbm>>) dst(%dma_wait3A_56 : memref<78x80xi32, #tpu.memory_space<vmem>>)
        tpu.yield
      }) : () -> ()
    } else {
    }
    %scan3A = arith.constant 0 : i32
    %scan3A_7 = arith.constant 0 : i32
    %scan3A_8 = arith.constant 80 : i32
    %scan3A_9 = arith.addi %scan3A_7, %scan3A_8 : i32
    %scan3A_10 = arith.constant 1 : i32
    scf.for %scan3A_35 = %scan3A_7 to %scan3A_9 step %scan3A_10  : i32 {
      %scan3A_36 = arith.constant 0 : i32
      %scan3A_37 = arith.constant 8 : i32
      %scan3A_38 = arith.addi %scan3A_36, %scan3A_37 : i32
      %scan3A_39 = arith.constant 1 : i32
      scf.for %scan3A_41 = %scan3A_36 to %scan3A_38 step %scan3A_39  : i32 {
        %broadcast_in_dim3A = arith.constant 0.000000e+00 : f32
        %broadcast_in_dim3A_42 = vector.broadcast %broadcast_in_dim3A : f32 to vector<16xf32>
        %mul3A = arith.constant 16 : i32
        %mul3A_43 = arith.muli %scan3A_41, %mul3A : i32
        %swap3A = arith.index_cast %scan3A_35 : i32 to index
        %swap3A_44 = arith.index_cast %mul3A_43 : i32 to index
        %swap3A_45 = tpu.vector_load %arg10[%swap3A, %swap3A_44] {strides = array<i32>} : memref<80x128xf32, #tpu.memory_space<vmem>>, vector<1x16xf32>,
        %swap3A_46 = vector.shape_cast %swap3A_45 : vector<1x16xf32> to vector<16xf32>
        %swap3A_47 = vector.shape_cast %broadcast_in_dim3A_42 : vector<16xf32> to vector<1x16xf32>
        tpu.vector_store %arg10[%swap3A, %swap3A_44], %swap3A_47 {strides = array<i32>} : memref<80x128xf32, #tpu.memory_space<vmem>>, vector<1x16xf32>,
      }
      %scan3A_40 = arith.constant 8 : i32
    }
    %scan3A_11 = arith.constant 80 : i32
    %scan3A_12 = arith.constant 0 : i32
    %scan3A_13 = arith.constant 0 : i32
    %scan3A_14 = arith.constant 8 : i32
    %scan3A_15 = arith.addi %scan3A_13, %scan3A_14 : i32
    %scan3A_16 = arith.constant 1 : i32
    scf.for %scan3A_35 = %scan3A_13 to %scan3A_15 step %scan3A_16  : i32 {
      %mul3A = arith.constant 640 : i32
      %mul3A_36 = arith.muli %arg1, %mul3A : i32
      %mul3A_37 = arith.constant 80 : i32
      %mul3A_38 = arith.muli %scan3A_35, %mul3A_37 : i32
      %add3A = arith.addi %mul3A_36, %mul3A_38 : i32
      "tpu.region"() ({
        %run_scoped3A = tpu.sem_alloc : memref<!tpu.dma_semaphore, #tpu.memory_space<semaphore_mem>>
        %dma_start3A = arith.constant 0 : i32
        %dma_start3A_39 = tpu.memref_slice %arg12[%add3A, %dma_start3A] : memref<10240x128xf32, #tpu.memory_space<vmem_shared>> -> memref<80x128xf32, #tpu.memory_space<vmem_shared>>
        %dma_start3A_40 = arith.constant 0 : i32
        %dma_start3A_41 = tpu.memref_slice %arg12[%add3A, %dma_start3A_40] : memref<10240x128xf32, #tpu.memory_space<vmem_shared>> -> memref<80x128xf32, #tpu.memory_space<vmem_shared>>
        tpu.enqueue_dma source(%arg10 : memref<80x128xf32, #tpu.memory_space<vmem>>) target(%dma_start3A_41 : memref<80x128xf32, #tpu.memory_space<vmem_shared>>) target_semaphore(%run_scoped3A : memref<!tpu.dma_semaphore, #tpu.memory_space<semaphore_mem>>)
        %dma_wait3A = arith.constant 0 : i32
        %dma_wait3A_42 = tpu.memref_slice %arg12[%add3A, %dma_wait3A] : memref<10240x128xf32, #tpu.memory_space<vmem_shared>> -> memref<80x128xf32, #tpu.memory_space<vmem_shared>>
        %dma_wait3A_43 = arith.constant 0 : i32
        %dma_wait3A_44 = tpu.memref_slice %arg12[%add3A, %dma_wait3A_43] : memref<10240x128xf32, #tpu.memory_space<vmem_shared>> -> memref<80x128xf32, #tpu.memory_space<vmem_shared>>
        tpu.wait_dma2 semaphore(%run_scoped3A : memref<!tpu.dma_semaphore, #tpu.memory_space<semaphore_mem>>) src(%arg10 : memref<80x128xf32, #tpu.memory_space<vmem>>) dst(%dma_wait3A_44 : memref<80x128xf32, #tpu.memory_space<vmem_shared>>)
        tpu.yield
      }) : () -> ()
    }
    %scan3A_17 = arith.constant 8 : i32
    %barrier3A = arith.constant 0 : index
    tpu.barrier barrier_id(%barrier3A)
    %eq3A_18 = arith.constant 0 : i32
    %eq3A_19 = arith.cmpi eq, %arg0, %eq3A_18 : i32
    %convert_element_type3A_20 = arith.extui %eq3A_19 : i1 to i32
    %cond3A_21 = arith.constant 0 : i32
    %cond3A_22 = arith.cmpi ne, %convert_element_type3A_20, %cond3A_21 : i32
    scf.if %cond3A_22 {
      %dma_start3A = arith.constant 0 : i32
      %dma_start3A_35 = arith.constant 0 : i32
      %dma_start3A_36 = tpu.memref_slice %arg8[%dma_start3A, %dma_start3A_35] : memref<172x80xi32, #tpu.memory_space<vmem>> -> memref<1x80xi32, #tpu.memory_space<vmem>>
      %dma_start3A_37 = tpu.memref_squeeze %dma_start3A_36 : memref<1x80xi32, #tpu.memory_space<vmem>> -> memref<80xi32, #tpu.memory_space<vmem>>
      %dma_start3A_38 = arith.constant 0 : i32
      %dma_start3A_39 = arith.constant 0 : i32
      %dma_start3A_40 = tpu.memref_slice %arg2[%dma_start3A_38, %dma_start3A_39] : memref<10240x128xf32, #tpu.memory_space<hbm>> -> memref<10240x128xf32, #tpu.memory_space<hbm>>
      tpu.enqueue_indirect_dma source(%dma_start3A_40 : memref<10240x128xf32, #tpu.memory_space<hbm>>) target(%arg10 : memref<80x128xf32, #tpu.memory_space<vmem>>) offsets(%dma_start3A_37 : memref<80xi32, #tpu.memory_space<vmem>>) semaphore(%arg13 : memref<!tpu.dma_semaphore, #tpu.memory_space<semaphore_mem>>)
      %scan3A_41 = arith.constant 0 : i32
      %scan3A_42 = arith.constant 0 : i32
      %scan3A_43 = arith.constant 86 : i32
      %scan3A_44 = arith.addi %scan3A_42, %scan3A_43 : i32
      %scan3A_45 = arith.constant 1 : i32
      scf.for %scan3A_47 = %scan3A_42 to %scan3A_44 step %scan3A_45  : i32 {
        %mul3A = arith.constant 2 : i32
        %mul3A_48 = arith.muli %mul3A, %scan3A_47 : i32
        %add3A = arith.constant 1 : i32
        %add3A_49 = arith.addi %mul3A_48, %add3A : i32
        %dma_start3A_50 = arith.constant 0 : i32
        %dma_start3A_51 = tpu.memref_slice %arg8[%add3A_49, %dma_start3A_50] : memref<172x80xi32, #tpu.memory_space<vmem>> -> memref<1x80xi32, #tpu.memory_space<vmem>>
        %dma_start3A_52 = tpu.memref_squeeze %dma_start3A_51 : memref<1x80xi32, #tpu.memory_space<vmem>> -> memref<80xi32, #tpu.memory_space<vmem>>
        %dma_start3A_53 = arith.constant 0 : i32
        %dma_start3A_54 = arith.constant 0 : i32
        %dma_start3A_55 = tpu.memref_slice %arg2[%dma_start3A_53, %dma_start3A_54] : memref<10240x128xf32, #tpu.memory_space<hbm>> -> memref<10240x128xf32, #tpu.memory_space<hbm>>
        tpu.enqueue_indirect_dma source(%dma_start3A_55 : memref<10240x128xf32, #tpu.memory_space<hbm>>) target(%arg11 : memref<80x128xf32, #tpu.memory_space<vmem>>) offsets(%dma_start3A_52 : memref<80xi32, #tpu.memory_space<vmem>>) semaphore(%arg14 : memref<!tpu.dma_semaphore, #tpu.memory_space<semaphore_mem>>)
        %dma_wait3A = arith.constant 0 : i32
        %dma_wait3A_56 = tpu.memref_slice %arg8[%mul3A_48, %dma_wait3A] : memref<172x80xi32, #tpu.memory_space<vmem>> -> memref<1x80xi32, #tpu.memory_space<vmem>>
        %dma_wait3A_57 = tpu.memref_squeeze %dma_wait3A_56 : memref<1x80xi32, #tpu.memory_space<vmem>> -> memref<80xi32, #tpu.memory_space<vmem>>
        %dma_wait3A_58 = arith.constant 0 : i32
        %dma_wait3A_59 = arith.constant 0 : i32
        %dma_wait3A_60 = tpu.memref_slice %arg2[%dma_wait3A_58, %dma_wait3A_59] : memref<10240x128xf32, #tpu.memory_space<hbm>> -> memref<10240x128xf32, #tpu.memory_space<hbm>>
        tpu.wait_indirect_dma semaphore(%arg13 : memref<!tpu.dma_semaphore, #tpu.memory_space<semaphore_mem>>) src(%dma_wait3A_60 : memref<10240x128xf32, #tpu.memory_space<hbm>>) dst(%arg10 : memref<80x128xf32, #tpu.memory_space<vmem>>)
        "tpu.region"() ({
          %run_scoped3A = tpu.sem_alloc : memref<!tpu.dma_semaphore, #tpu.memory_space<semaphore_mem>>
          %dma_start3A_77 = arith.constant 0 : i32
          %dma_start3A_78 = tpu.memref_slice %arg9[%mul3A_48, %dma_start3A_77] : memref<172x80xi32, #tpu.memory_space<vmem>> -> memref<1x80xi32, #tpu.memory_space<vmem>>
          %dma_start3A_79 = tpu.memref_squeeze %dma_start3A_78 : memref<1x80xi32, #tpu.memory_space<vmem>> -> memref<80xi32, #tpu.memory_space<vmem>>
          %dma_start3A_80 = arith.constant 0 : i32
          %dma_start3A_81 = arith.constant 0 : i32
          %dma_start3A_82 = tpu.memref_slice %arg12[%dma_start3A_80, %dma_start3A_81] : memref<10240x128xf32, #tpu.memory_space<vmem_shared>> -> memref<10240x128xf32, #tpu.memory_space<vmem_shared>>
          tpu.enqueue_indirect_dma source(%arg10 : memref<80x128xf32, #tpu.memory_space<vmem>>) target(%dma_start3A_82 : memref<10240x128xf32, #tpu.memory_space<vmem_shared>>) offsets(%dma_start3A_79 : memref<80xi32, #tpu.memory_space<vmem>>) semaphore(%run_scoped3A : memref<!tpu.dma_semaphore, #tpu.memory_space<semaphore_mem>>) {add = true}
          %dma_wait3A_83 = arith.constant 0 : i32
          %dma_wait3A_84 = tpu.memref_slice %arg9[%mul3A_48, %dma_wait3A_83] : memref<172x80xi32, #tpu.memory_space<vmem>> -> memref<1x80xi32, #tpu.memory_space<vmem>>
          %dma_wait3A_85 = tpu.memref_squeeze %dma_wait3A_84 : memref<1x80xi32, #tpu.memory_space<vmem>> -> memref<80xi32, #tpu.memory_space<vmem>>
          %dma_wait3A_86 = arith.constant 0 : i32
          %dma_wait3A_87 = arith.constant 0 : i32
          %dma_wait3A_88 = tpu.memref_slice %arg12[%dma_wait3A_86, %dma_wait3A_87] : memref<10240x128xf32, #tpu.memory_space<vmem_shared>> -> memref<10240x128xf32, #tpu.memory_space<vmem_shared>>
          tpu.wait_indirect_dma semaphore(%run_scoped3A : memref<!tpu.dma_semaphore, #tpu.memory_space<semaphore_mem>>) src(%arg10 : memref<80x128xf32, #tpu.memory_space<vmem>>) dst(%dma_wait3A_88 : memref<10240x128xf32, #tpu.memory_space<vmem_shared>>)
          tpu.yield
        }) : () -> ()
        %add3A_61 = arith.constant 2 : i32
        %add3A_62 = arith.addi %mul3A_48, %add3A_61 : i32
        %lt3A = arith.constant 172 : i32
        %lt3A_63 = arith.cmpi slt, %add3A_62, %lt3A : i32
        %convert_element_type3A_64 = arith.extui %lt3A_63 : i1 to i32
        %cond3A_65 = arith.constant 0 : i32
        %cond3A_66 = arith.cmpi ne, %convert_element_type3A_64, %cond3A_65 : i32
        scf.if %cond3A_66 {
          %add3A_77 = arith.constant 2 : i32
          %add3A_78 = arith.addi %mul3A_48, %add3A_77 : i32
          %dma_start3A_79 = arith.constant 0 : i32
          %dma_start3A_80 = tpu.memref_slice %arg8[%add3A_78, %dma_start3A_79] : memref<172x80xi32, #tpu.memory_space<vmem>> -> memref<1x80xi32, #tpu.memory_space<vmem>>
          %dma_start3A_81 = tpu.memref_squeeze %dma_start3A_80 : memref<1x80xi32, #tpu.memory_space<vmem>> -> memref<80xi32, #tpu.memory_space<vmem>>
          %dma_start3A_82 = arith.constant 0 : i32
          %dma_start3A_83 = arith.constant 0 : i32
          %dma_start3A_84 = tpu.memref_slice %arg2[%dma_start3A_82, %dma_start3A_83] : memref<10240x128xf32, #tpu.memory_space<hbm>> -> memref<10240x128xf32, #tpu.memory_space<hbm>>
          tpu.enqueue_indirect_dma source(%dma_start3A_84 : memref<10240x128xf32, #tpu.memory_space<hbm>>) target(%arg10 : memref<80x128xf32, #tpu.memory_space<vmem>>) offsets(%dma_start3A_81 : memref<80xi32, #tpu.memory_space<vmem>>) semaphore(%arg13 : memref<!tpu.dma_semaphore, #tpu.memory_space<semaphore_mem>>)
        } else {
        }
        %add3A_67 = arith.constant 1 : i32
        %add3A_68 = arith.addi %mul3A_48, %add3A_67 : i32
        %dma_wait3A_69 = arith.constant 0 : i32
        %dma_wait3A_70 = tpu.memref_slice %arg8[%add3A_68, %dma_wait3A_69] : memref<172x80xi32, #tpu.memory_space<vmem>> -> memref<1x80xi32, #tpu.memory_space<vmem>>
        %dma_wait3A_71 = tpu.memref_squeeze %dma_wait3A_70 : memref<1x80xi32, #tpu.memory_space<vmem>> -> memref<80xi32, #tpu.memory_space<vmem>>
        %dma_wait3A_72 = arith.constant 0 : i32
        %dma_wait3A_73 = arith.constant 0 : i32
        %dma_wait3A_74 = tpu.memref_slice %arg2[%dma_wait3A_72, %dma_wait3A_73] : memref<10240x128xf32, #tpu.memory_space<hbm>> -> memref<10240x128xf32, #tpu.memory_space<hbm>>
        tpu.wait_indirect_dma semaphore(%arg14 : memref<!tpu.dma_semaphore, #tpu.memory_space<semaphore_mem>>) src(%dma_wait3A_74 : memref<10240x128xf32, #tpu.memory_space<hbm>>) dst(%arg11 : memref<80x128xf32, #tpu.memory_space<vmem>>)
        %add3A_75 = arith.constant 1 : i32
        %add3A_76 = arith.addi %mul3A_48, %add3A_75 : i32
        "tpu.region"() ({
          %run_scoped3A = tpu.sem_alloc : memref<!tpu.dma_semaphore, #tpu.memory_space<semaphore_mem>>
          %dma_start3A_77 = arith.constant 0 : i32
          %dma_start3A_78 = tpu.memref_slice %arg9[%add3A_76, %dma_start3A_77] : memref<172x80xi32, #tpu.memory_space<vmem>> -> memref<1x80xi32, #tpu.memory_space<vmem>>
          %dma_start3A_79 = tpu.memref_squeeze %dma_start3A_78 : memref<1x80xi32, #tpu.memory_space<vmem>> -> memref<80xi32, #tpu.memory_space<vmem>>
          %dma_start3A_80 = arith.constant 0 : i32
          %dma_start3A_81 = arith.constant 0 : i32
          %dma_start3A_82 = tpu.memref_slice %arg12[%dma_start3A_80, %dma_start3A_81] : memref<10240x128xf32, #tpu.memory_space<vmem_shared>> -> memref<10240x128xf32, #tpu.memory_space<vmem_shared>>
          tpu.enqueue_indirect_dma source(%arg11 : memref<80x128xf32, #tpu.memory_space<vmem>>) target(%dma_start3A_82 : memref<10240x128xf32, #tpu.memory_space<vmem_shared>>) offsets(%dma_start3A_79 : memref<80xi32, #tpu.memory_space<vmem>>) semaphore(%run_scoped3A : memref<!tpu.dma_semaphore, #tpu.memory_space<semaphore_mem>>) {add = true}
          %dma_wait3A_83 = arith.constant 0 : i32
          %dma_wait3A_84 = tpu.memref_slice %arg9[%add3A_76, %dma_wait3A_83] : memref<172x80xi32, #tpu.memory_space<vmem>> -> memref<1x80xi32, #tpu.memory_space<vmem>>
          %dma_wait3A_85 = tpu.memref_squeeze %dma_wait3A_84 : memref<1x80xi32, #tpu.memory_space<vmem>> -> memref<80xi32, #tpu.memory_space<vmem>>
          %dma_wait3A_86 = arith.constant 0 : i32
          %dma_wait3A_87 = arith.constant 0 : i32
          %dma_wait3A_88 = tpu.memref_slice %arg12[%dma_wait3A_86, %dma_wait3A_87] : memref<10240x128xf32, #tpu.memory_space<vmem_shared>> -> memref<10240x128xf32, #tpu.memory_space<vmem_shared>>
          tpu.wait_indirect_dma semaphore(%run_scoped3A : memref<!tpu.dma_semaphore, #tpu.memory_space<semaphore_mem>>) src(%arg11 : memref<80x128xf32, #tpu.memory_space<vmem>>) dst(%dma_wait3A_88 : memref<10240x128xf32, #tpu.memory_space<vmem_shared>>)
          tpu.yield
        }) : () -> ()
      }
      %scan3A_46 = arith.constant 86 : i32
    } else {
    }
    %eq3A_23 = arith.constant 1 : i32
    %eq3A_24 = arith.cmpi eq, %arg0, %eq3A_23 : i32
    %convert_element_type3A_25 = arith.extui %eq3A_24 : i1 to i32
    %cond3A_26 = arith.constant 0 : i32
    %cond3A_27 = arith.cmpi ne, %convert_element_type3A_25, %cond3A_26 : i32
    scf.if %cond3A_27 {
      %scan3A_35 = arith.constant 0 : i32
      %scan3A_36 = arith.constant 0 : i32
      %scan3A_37 = arith.constant 78 : i32
      %scan3A_38 = arith.addi %scan3A_36, %scan3A_37 : i32
      %scan3A_39 = arith.constant 1 : i32
      scf.for %scan3A_41 = %scan3A_36 to %scan3A_38 step %scan3A_39  : i32 {
        %dma_start3A = arith.constant 0 : i32
        %dma_start3A_42 = tpu.memref_slice %arg8[%scan3A_41, %dma_start3A] : memref<172x80xi32, #tpu.memory_space<vmem>> -> memref<1x80xi32, #tpu.memory_space<vmem>>
        %dma_start3A_43 = tpu.memref_squeeze %dma_start3A_42 : memref<1x80xi32, #tpu.memory_space<vmem>> -> memref<80xi32, #tpu.memory_space<vmem>>
        %dma_start3A_44 = arith.constant 0 : i32
        %dma_start3A_45 = arith.constant 0 : i32
        %dma_start3A_46 = tpu.memref_slice %arg2[%dma_start3A_44, %dma_start3A_45] : memref<10240x128xf32, #tpu.memory_space<hbm>> -> memref<10240x128xf32, #tpu.memory_space<hbm>>
        tpu.enqueue_indirect_dma source(%dma_start3A_46 : memref<10240x128xf32, #tpu.memory_space<hbm>>) target(%arg10 : memref<80x128xf32, #tpu.memory_space<vmem>>) offsets(%dma_start3A_43 : memref<80xi32, #tpu.memory_space<vmem>>) semaphore(%arg13 : memref<!tpu.dma_semaphore, #tpu.memory_space<semaphore_mem>>)
        %dma_wait3A = arith.constant 0 : i32
        %dma_wait3A_47 = tpu.memref_slice %arg8[%scan3A_41, %dma_wait3A] : memref<172x80xi32, #tpu.memory_space<vmem>> -> memref<1x80xi32, #tpu.memory_space<vmem>>
        %dma_wait3A_48 = tpu.memref_squeeze %dma_wait3A_47 : memref<1x80xi32, #tpu.memory_space<vmem>> -> memref<80xi32, #tpu.memory_space<vmem>>
        %dma_wait3A_49 = arith.constant 0 : i32
        %dma_wait3A_50 = arith.constant 0 : i32
        %dma_wait3A_51 = tpu.memref_slice %arg2[%dma_wait3A_49, %dma_wait3A_50] : memref<10240x128xf32, #tpu.memory_space<hbm>> -> memref<10240x128xf32, #tpu.memory_space<hbm>>
        tpu.wait_indirect_dma semaphore(%arg13 : memref<!tpu.dma_semaphore, #tpu.memory_space<semaphore_mem>>) src(%dma_wait3A_51 : memref<10240x128xf32, #tpu.memory_space<hbm>>) dst(%arg10 : memref<80x128xf32, #tpu.memory_space<vmem>>)
        "tpu.region"() ({
          %run_scoped3A = tpu.sem_alloc : memref<!tpu.dma_semaphore, #tpu.memory_space<semaphore_mem>>
          %dma_start3A_52 = arith.constant 0 : i32
          %dma_start3A_53 = tpu.memref_slice %arg9[%scan3A_41, %dma_start3A_52] : memref<172x80xi32, #tpu.memory_space<vmem>> -> memref<1x80xi32, #tpu.memory_space<vmem>>
          %dma_start3A_54 = tpu.memref_squeeze %dma_start3A_53 : memref<1x80xi32, #tpu.memory_space<vmem>> -> memref<80xi32, #tpu.memory_space<vmem>>
          %dma_start3A_55 = arith.constant 0 : i32
          %dma_start3A_56 = arith.constant 0 : i32
          %dma_start3A_57 = tpu.memref_slice %arg12[%dma_start3A_55, %dma_start3A_56] : memref<10240x128xf32, #tpu.memory_space<vmem_shared>> -> memref<10240x128xf32, #tpu.memory_space<vmem_shared>>
          tpu.enqueue_indirect_dma source(%arg10 : memref<80x128xf32, #tpu.memory_space<vmem>>) target(%dma_start3A_57 : memref<10240x128xf32, #tpu.memory_space<vmem_shared>>) offsets(%dma_start3A_54 : memref<80xi32, #tpu.memory_space<vmem>>) semaphore(%run_scoped3A : memref<!tpu.dma_semaphore, #tpu.memory_space<semaphore_mem>>) {add = true}
          %dma_wait3A_58 = arith.constant 0 : i32
          %dma_wait3A_59 = tpu.memref_slice %arg9[%scan3A_41, %dma_wait3A_58] : memref<172x80xi32, #tpu.memory_space<vmem>> -> memref<1x80xi32, #tpu.memory_space<vmem>>
          %dma_wait3A_60 = tpu.memref_squeeze %dma_wait3A_59 : memref<1x80xi32, #tpu.memory_space<vmem>> -> memref<80xi32, #tpu.memory_space<vmem>>
          %dma_wait3A_61 = arith.constant 0 : i32
          %dma_wait3A_62 = arith.constant 0 : i32
          %dma_wait3A_63 = tpu.memref_slice %arg12[%dma_wait3A_61, %dma_wait3A_62] : memref<10240x128xf32, #tpu.memory_space<vmem_shared>> -> memref<10240x128xf32, #tpu.memory_space<vmem_shared>>
          tpu.wait_indirect_dma semaphore(%run_scoped3A : memref<!tpu.dma_semaphore, #tpu.memory_space<semaphore_mem>>) src(%arg10 : memref<80x128xf32, #tpu.memory_space<vmem>>) dst(%dma_wait3A_63 : memref<10240x128xf32, #tpu.memory_space<vmem_shared>>)
          tpu.yield
        }) : () -> ()
      }
      %scan3A_40 = arith.constant 78 : i32
    } else {
    }
    %barrier3A_28 = arith.constant 0 : index
    tpu.barrier barrier_id(%barrier3A_28)
    %scan3A_29 = arith.constant 0 : i32
    %scan3A_30 = arith.constant 0 : i32
    %scan3A_31 = arith.constant 8 : i32
    %scan3A_32 = arith.addi %scan3A_30, %scan3A_31 : i32
    %scan3A_33 = arith.constant 1 : i32
    scf.for %scan3A_35 = %scan3A_30 to %scan3A_32 step %scan3A_33  : i32 {
      %mul3A = arith.constant 640 : i32
      %mul3A_36 = arith.muli %arg1, %mul3A : i32
      %mul3A_37 = arith.constant 80 : i32
      %mul3A_38 = arith.muli %scan3A_35, %mul3A_37 : i32
      %add3A = arith.addi %mul3A_36, %mul3A_38 : i32
      "tpu.region"() ({
        %run_scoped3A = tpu.sem_alloc : memref<!tpu.dma_semaphore, #tpu.memory_space<semaphore_mem>>
        %dma_start3A = arith.constant 0 : i32
        %dma_start3A_39 = tpu.memref_slice %arg12[%add3A, %dma_start3A] : memref<10240x128xf32, #tpu.memory_space<vmem_shared>> -> memref<80x128xf32, #tpu.memory_space<vmem_shared>>
        %dma_start3A_40 = arith.constant 0 : i32
        %dma_start3A_41 = tpu.memref_slice %arg12[%add3A, %dma_start3A_40] : memref<10240x128xf32, #tpu.memory_space<vmem_shared>> -> memref<80x128xf32, #tpu.memory_space<vmem_shared>>
        tpu.enqueue_dma source(%dma_start3A_41 : memref<80x128xf32, #tpu.memory_space<vmem_shared>>) target(%arg10 : memref<80x128xf32, #tpu.memory_space<vmem>>) target_semaphore(%run_scoped3A : memref<!tpu.dma_semaphore, #tpu.memory_space<semaphore_mem>>)
        %dma_wait3A = arith.constant 0 : i32
        %dma_wait3A_42 = tpu.memref_slice %arg12[%add3A, %dma_wait3A] : memref<10240x128xf32, #tpu.memory_space<vmem_shared>> -> memref<80x128xf32, #tpu.memory_space<vmem_shared>>
        %dma_wait3A_43 = arith.constant 0 : i32
        %dma_wait3A_44 = tpu.memref_slice %arg12[%add3A, %dma_wait3A_43] : memref<10240x128xf32, #tpu.memory_space<vmem_shared>> -> memref<80x128xf32, #tpu.memory_space<vmem_shared>>
        tpu.wait_dma2 semaphore(%run_scoped3A : memref<!tpu.dma_semaphore, #tpu.memory_space<semaphore_mem>>) src(%dma_wait3A_44 : memref<80x128xf32, #tpu.memory_space<vmem_shared>>) dst(%arg10 : memref<80x128xf32, #tpu.memory_space<vmem>>)
        tpu.yield
      }) : () -> ()
      "tpu.region"() ({
        %run_scoped3A = tpu.sem_alloc : memref<!tpu.dma_semaphore, #tpu.memory_space<semaphore_mem>>
        %dma_start3A = arith.constant 0 : i32
        %dma_start3A_39 = tpu.memref_slice %arg7[%arg0, %add3A, %dma_start3A] : memref<2x10240x128xf32, #tpu.memory_space<hbm>> -> memref<1x80x128xf32, #tpu.memory_space<hbm>>
        %dma_start3A_40 = tpu.memref_squeeze %dma_start3A_39 : memref<1x80x128xf32, #tpu.memory_space<hbm>> -> memref<80x128xf32, #tpu.memory_space<hbm>>
        %dma_start3A_41 = arith.constant 0 : i32
        %dma_start3A_42 = tpu.memref_slice %arg7[%arg0, %add3A, %dma_start3A_41] : memref<2x10240x128xf32, #tpu.memory_space<hbm>> -> memref<1x80x128xf32, #tpu.memory_space<hbm>>
        %dma_start3A_43 = tpu.memref_squeeze %dma_start3A_42 : memref<1x80x128xf32, #tpu.memory_space<hbm>> -> memref<80x128xf32, #tpu.memory_space<hbm>>
        tpu.enqueue_dma source(%arg10 : memref<80x128xf32, #tpu.memory_space<vmem>>) target(%dma_start3A_43 : memref<80x128xf32, #tpu.memory_space<hbm>>) target_semaphore(%run_scoped3A : memref<!tpu.dma_semaphore, #tpu.memory_space<semaphore_mem>>)
        %dma_wait3A = arith.constant 0 : i32
        %dma_wait3A_44 = tpu.memref_slice %arg7[%arg0, %add3A, %dma_wait3A] : memref<2x10240x128xf32, #tpu.memory_space<hbm>> -> memref<1x80x128xf32, #tpu.memory_space<hbm>>
        %dma_wait3A_45 = tpu.memref_squeeze %dma_wait3A_44 : memref<1x80x128xf32, #tpu.memory_space<hbm>> -> memref<80x128xf32, #tpu.memory_space<hbm>>
        %dma_wait3A_46 = arith.constant 0 : i32
        %dma_wait3A_47 = tpu.memref_slice %arg7[%arg0, %add3A, %dma_wait3A_46] : memref<2x10240x128xf32, #tpu.memory_space<hbm>> -> memref<1x80x128xf32, #tpu.memory_space<hbm>>
        %dma_wait3A_48 = tpu.memref_squeeze %dma_wait3A_47 : memref<1x80x128xf32, #tpu.memory_space<hbm>> -> memref<80x128xf32, #tpu.memory_space<hbm>>
        tpu.wait_dma2 semaphore(%run_scoped3A : memref<!tpu.dma_semaphore, #tpu.memory_space<semaphore_mem>>) src(%arg10 : memref<80x128xf32, #tpu.memory_space<vmem>>) dst(%dma_wait3A_48 : memref<80x128xf32, #tpu.memory_space<hbm>>)
        tpu.yield
      }) : () -> ()
    }
    %scan3A_34 = arith.constant 8 : i32
    return
  }
}

#map = affine_map<(d0, d1) -> (0, 0)>
#map1 = affine_map<(d0, d1) -> (0, 0, 0)>
module attributes {stable_mosaic.version = 14 : i64} {
  func.func @mp_kernel(%arg0: i32, %arg1: i32, %arg2: memref<10240x128xf32, #tpu.memory_space<hbm>>, %arg3: memref<16x172x80xi32, #tpu.memory_space<hbm>>, %arg4: memref<16x172x80xi32, #tpu.memory_space<hbm>>, %arg5: memref<16x78x80xi32, #tpu.memory_space<hbm>>, %arg6: memref<16x78x80xi32, #tpu.memory_space<hbm>>, %arg7: memref<2x10240x128xf32, #tpu.memory_space<hbm>>, %arg8: memref<172x80xi32, #tpu.memory_space<vmem>>, %arg9: memref<172x80xi32, #tpu.memory_space<vmem>>, %arg10: memref<80x128xf32, #tpu.memory_space<vmem>>, %arg11: memref<80x128xf32, #tpu.memory_space<vmem>>, %arg12: memref<10240x128xf32, #tpu.memory_space<vmem_shared>>, %arg13: memref<!tpu.dma_semaphore, #tpu.memory_space<semaphore_mem>>, %arg14: memref<!tpu.dma_semaphore, #tpu.memory_space<semaphore_mem>>) attributes {dimension_semantics = [#tpu.dimension_semantics<core_parallel>, #tpu.dimension_semantics<subcore_parallel>], iteration_bounds = array<i64: 2, 16>, scalar_prefetch = 0 : i64, scratch_operands = 7 : i64, tpu.core_type = #tpu.core_type<sc_vector_subcore>, window_params = [{transform_indices = #map}, {transform_indices = #map1}, {transform_indices = #map1}, {transform_indices = #map1}, {transform_indices = #map1}, {transform_indices = #map1}]} {
    %eq3A = arith.constant 0 : i32
    %eq3A_0 = arith.cmpi eq, %arg0, %eq3A : i32
    %convert_element_type3A = arith.extui %eq3A_0 : i1 to i32
    %cond3A = arith.constant 0 : i32
    %cond3A_1 = arith.cmpi ne, %convert_element_type3A, %cond3A : i32
    scf.if %cond3A_1 {
      "tpu.region"() ({
        %run_scoped3A = tpu.sem_alloc : memref<!tpu.dma_semaphore, #tpu.memory_space<semaphore_mem>>
        %dma_start3A = arith.constant 0 : i32
        %dma_start3A_35 = arith.constant 0 : i32
        %dma_start3A_36 = tpu.memref_slice %arg8[%dma_start3A, %dma_start3A_35] : memref<172x80xi32, #tpu.memory_space<vmem>> -> memref<172x80xi32, #tpu.memory_space<vmem>>
        %dma_start3A_37 = arith.constant 0 : i32
        %dma_start3A_38 = arith.constant 0 : i32
        %dma_start3A_39 = tpu.memref_slice %arg3[%arg1, %dma_start3A_37, %dma_start3A_38] : memref<16x172x80xi32, #tpu.memory_space<hbm>> -> memref<1x172x80xi32, #tpu.memory_space<hbm>>
        %dma_start3A_40 = tpu.memref_squeeze %dma_start3A_39 : memref<1x172x80xi32, #tpu.memory_space<hbm>> -> memref<172x80xi32, #tpu.memory_space<hbm>>
        %dma_start3A_41 = arith.constant 0 : i32
        %dma_start3A_42 = arith.constant 0 : i32
        %dma_start3A_43 = tpu.memref_slice %arg8[%dma_start3A_41, %dma_start3A_42] : memref<172x80xi32, #tpu.memory_space<vmem>> -> memref<172x80xi32, #tpu.memory_space<vmem>>
        %dma_start3A_44 = arith.constant 0 : i32
        %dma_start3A_45 = arith.constant 0 : i32
        %dma_start3A_46 = tpu.memref_slice %arg3[%arg1, %dma_start3A_44, %dma_start3A_45] : memref<16x172x80xi32, #tpu.memory_space<hbm>> -> memref<1x172x80xi32, #tpu.memory_space<hbm>>
        %dma_start3A_47 = tpu.memref_squeeze %dma_start3A_46 : memref<1x172x80xi32, #tpu.memory_space<hbm>> -> memref<172x80xi32, #tpu.memory_space<hbm>>
        tpu.enqueue_dma source(%dma_start3A_47 : memref<172x80xi32, #tpu.memory_space<hbm>>) target(%dma_start3A_43 : memref<172x80xi32, #tpu.memory_space<vmem>>) target_semaphore(%run_scoped3A : memref<!tpu.dma_semaphore, #tpu.memory_space<semaphore_mem>>)
        %dma_wait3A = arith.constant 0 : i32
        %dma_wait3A_48 = arith.constant 0 : i32
        %dma_wait3A_49 = tpu.memref_slice %arg8[%dma_wait3A, %dma_wait3A_48] : memref<172x80xi32, #tpu.memory_space<vmem>> -> memref<172x80xi32, #tpu.memory_space<vmem>>
        %dma_wait3A_50 = arith.constant 0 : i32
        %dma_wait3A_51 = arith.constant 0 : i32
        %dma_wait3A_52 = tpu.memref_slice %arg3[%arg1, %dma_wait3A_50, %dma_wait3A_51] : memref<16x172x80xi32, #tpu.memory_space<hbm>> -> memref<1x172x80xi32, #tpu.memory_space<hbm>>
        %dma_wait3A_53 = tpu.memref_squeeze %dma_wait3A_52 : memref<1x172x80xi32, #tpu.memory_space<hbm>> -> memref<172x80xi32, #tpu.memory_space<hbm>>
        %dma_wait3A_54 = arith.constant 0 : i32
        %dma_wait3A_55 = arith.constant 0 : i32
        %dma_wait3A_56 = tpu.memref_slice %arg8[%dma_wait3A_54, %dma_wait3A_55] : memref<172x80xi32, #tpu.memory_space<vmem>> -> memref<172x80xi32, #tpu.memory_space<vmem>>
        %dma_wait3A_57 = arith.constant 0 : i32
        %dma_wait3A_58 = arith.constant 0 : i32
        %dma_wait3A_59 = tpu.memref_slice %arg3[%arg1, %dma_wait3A_57, %dma_wait3A_58] : memref<16x172x80xi32, #tpu.memory_space<hbm>> -> memref<1x172x80xi32, #tpu.memory_space<hbm>>
        %dma_wait3A_60 = tpu.memref_squeeze %dma_wait3A_59 : memref<1x172x80xi32, #tpu.memory_space<hbm>> -> memref<172x80xi32, #tpu.memory_space<hbm>>
        tpu.wait_dma2 semaphore(%run_scoped3A : memref<!tpu.dma_semaphore, #tpu.memory_space<semaphore_mem>>) src(%dma_wait3A_60 : memref<172x80xi32, #tpu.memory_space<hbm>>) dst(%dma_wait3A_56 : memref<172x80xi32, #tpu.memory_space<vmem>>)
        tpu.yield
      }) : () -> ()
      "tpu.region"() ({
        %run_scoped3A = tpu.sem_alloc : memref<!tpu.dma_semaphore, #tpu.memory_space<semaphore_mem>>
        %dma_start3A = arith.constant 0 : i32
        %dma_start3A_35 = arith.constant 0 : i32
        %dma_start3A_36 = tpu.memref_slice %arg9[%dma_start3A, %dma_start3A_35] : memref<172x80xi32, #tpu.memory_space<vmem>> -> memref<172x80xi32, #tpu.memory_space<vmem>>
        %dma_start3A_37 = arith.constant 0 : i32
        %dma_start3A_38 = arith.constant 0 : i32
        %dma_start3A_39 = tpu.memref_slice %arg4[%arg1, %dma_start3A_37, %dma_start3A_38] : memref<16x172x80xi32, #tpu.memory_space<hbm>> -> memref<1x172x80xi32, #tpu.memory_space<hbm>>
        %dma_start3A_40 = tpu.memref_squeeze %dma_start3A_39 : memref<1x172x80xi32, #tpu.memory_space<hbm>> -> memref<172x80xi32, #tpu.memory_space<hbm>>
        %dma_start3A_41 = arith.constant 0 : i32
        %dma_start3A_42 = arith.constant 0 : i32
        %dma_start3A_43 = tpu.memref_slice %arg9[%dma_start3A_41, %dma_start3A_42] : memref<172x80xi32, #tpu.memory_space<vmem>> -> memref<172x80xi32, #tpu.memory_space<vmem>>
        %dma_start3A_44 = arith.constant 0 : i32
        %dma_start3A_45 = arith.constant 0 : i32
        %dma_start3A_46 = tpu.memref_slice %arg4[%arg1, %dma_start3A_44, %dma_start3A_45] : memref<16x172x80xi32, #tpu.memory_space<hbm>> -> memref<1x172x80xi32, #tpu.memory_space<hbm>>
        %dma_start3A_47 = tpu.memref_squeeze %dma_start3A_46 : memref<1x172x80xi32, #tpu.memory_space<hbm>> -> memref<172x80xi32, #tpu.memory_space<hbm>>
        tpu.enqueue_dma source(%dma_start3A_47 : memref<172x80xi32, #tpu.memory_space<hbm>>) target(%dma_start3A_43 : memref<172x80xi32, #tpu.memory_space<vmem>>) target_semaphore(%run_scoped3A : memref<!tpu.dma_semaphore, #tpu.memory_space<semaphore_mem>>)
        %dma_wait3A = arith.constant 0 : i32
        %dma_wait3A_48 = arith.constant 0 : i32
        %dma_wait3A_49 = tpu.memref_slice %arg9[%dma_wait3A, %dma_wait3A_48] : memref<172x80xi32, #tpu.memory_space<vmem>> -> memref<172x80xi32, #tpu.memory_space<vmem>>
        %dma_wait3A_50 = arith.constant 0 : i32
        %dma_wait3A_51 = arith.constant 0 : i32
        %dma_wait3A_52 = tpu.memref_slice %arg4[%arg1, %dma_wait3A_50, %dma_wait3A_51] : memref<16x172x80xi32, #tpu.memory_space<hbm>> -> memref<1x172x80xi32, #tpu.memory_space<hbm>>
        %dma_wait3A_53 = tpu.memref_squeeze %dma_wait3A_52 : memref<1x172x80xi32, #tpu.memory_space<hbm>> -> memref<172x80xi32, #tpu.memory_space<hbm>>
        %dma_wait3A_54 = arith.constant 0 : i32
        %dma_wait3A_55 = arith.constant 0 : i32
        %dma_wait3A_56 = tpu.memref_slice %arg9[%dma_wait3A_54, %dma_wait3A_55] : memref<172x80xi32, #tpu.memory_space<vmem>> -> memref<172x80xi32, #tpu.memory_space<vmem>>
        %dma_wait3A_57 = arith.constant 0 : i32
        %dma_wait3A_58 = arith.constant 0 : i32
        %dma_wait3A_59 = tpu.memref_slice %arg4[%arg1, %dma_wait3A_57, %dma_wait3A_58] : memref<16x172x80xi32, #tpu.memory_space<hbm>> -> memref<1x172x80xi32, #tpu.memory_space<hbm>>
        %dma_wait3A_60 = tpu.memref_squeeze %dma_wait3A_59 : memref<1x172x80xi32, #tpu.memory_space<hbm>> -> memref<172x80xi32, #tpu.memory_space<hbm>>
        tpu.wait_dma2 semaphore(%run_scoped3A : memref<!tpu.dma_semaphore, #tpu.memory_space<semaphore_mem>>) src(%dma_wait3A_60 : memref<172x80xi32, #tpu.memory_space<hbm>>) dst(%dma_wait3A_56 : memref<172x80xi32, #tpu.memory_space<vmem>>)
        tpu.yield
      }) : () -> ()
    } else {
    }
    %eq3A_2 = arith.constant 1 : i32
    %eq3A_3 = arith.cmpi eq, %arg0, %eq3A_2 : i32
    %convert_element_type3A_4 = arith.extui %eq3A_3 : i1 to i32
    %cond3A_5 = arith.constant 0 : i32
    %cond3A_6 = arith.cmpi ne, %convert_element_type3A_4, %cond3A_5 : i32
    scf.if %cond3A_6 {
      "tpu.region"() ({
        %run_scoped3A = tpu.sem_alloc : memref<!tpu.dma_semaphore, #tpu.memory_space<semaphore_mem>>
        %dma_start3A = arith.constant 0 : i32
        %dma_start3A_35 = arith.constant 0 : i32
        %dma_start3A_36 = tpu.memref_slice %arg8[%dma_start3A, %dma_start3A_35] : memref<172x80xi32, #tpu.memory_space<vmem>> -> memref<78x80xi32, #tpu.memory_space<vmem>>
        %dma_start3A_37 = arith.constant 0 : i32
        %dma_start3A_38 = arith.constant 0 : i32
        %dma_start3A_39 = tpu.memref_slice %arg5[%arg1, %dma_start3A_37, %dma_start3A_38] : memref<16x78x80xi32, #tpu.memory_space<hbm>> -> memref<1x78x80xi32, #tpu.memory_space<hbm>>
        %dma_start3A_40 = tpu.memref_squeeze %dma_start3A_39 : memref<1x78x80xi32, #tpu.memory_space<hbm>> -> memref<78x80xi32, #tpu.memory_space<hbm>>
        %dma_start3A_41 = arith.constant 0 : i32
        %dma_start3A_42 = arith.constant 0 : i32
        %dma_start3A_43 = tpu.memref_slice %arg8[%dma_start3A_41, %dma_start3A_42] : memref<172x80xi32, #tpu.memory_space<vmem>> -> memref<78x80xi32, #tpu.memory_space<vmem>>
        %dma_start3A_44 = arith.constant 0 : i32
        %dma_start3A_45 = arith.constant 0 : i32
        %dma_start3A_46 = tpu.memref_slice %arg5[%arg1, %dma_start3A_44, %dma_start3A_45] : memref<16x78x80xi32, #tpu.memory_space<hbm>> -> memref<1x78x80xi32, #tpu.memory_space<hbm>>
        %dma_start3A_47 = tpu.memref_squeeze %dma_start3A_46 : memref<1x78x80xi32, #tpu.memory_space<hbm>> -> memref<78x80xi32, #tpu.memory_space<hbm>>
        tpu.enqueue_dma source(%dma_start3A_47 : memref<78x80xi32, #tpu.memory_space<hbm>>) target(%dma_start3A_43 : memref<78x80xi32, #tpu.memory_space<vmem>>) target_semaphore(%run_scoped3A : memref<!tpu.dma_semaphore, #tpu.memory_space<semaphore_mem>>)
        %dma_wait3A = arith.constant 0 : i32
        %dma_wait3A_48 = arith.constant 0 : i32
        %dma_wait3A_49 = tpu.memref_slice %arg8[%dma_wait3A, %dma_wait3A_48] : memref<172x80xi32, #tpu.memory_space<vmem>> -> memref<78x80xi32, #tpu.memory_space<vmem>>
        %dma_wait3A_50 = arith.constant 0 : i32
        %dma_wait3A_51 = arith.constant 0 : i32
        %dma_wait3A_52 = tpu.memref_slice %arg5[%arg1, %dma_wait3A_50, %dma_wait3A_51] : memref<16x78x80xi32, #tpu.memory_space<hbm>> -> memref<1x78x80xi32, #tpu.memory_space<hbm>>
        %dma_wait3A_53 = tpu.memref_squeeze %dma_wait3A_52 : memref<1x78x80xi32, #tpu.memory_space<hbm>> -> memref<78x80xi32, #tpu.memory_space<hbm>>
        %dma_wait3A_54 = arith.constant 0 : i32
        %dma_wait3A_55 = arith.constant 0 : i32
        %dma_wait3A_56 = tpu.memref_slice %arg8[%dma_wait3A_54, %dma_wait3A_55] : memref<172x80xi32, #tpu.memory_space<vmem>> -> memref<78x80xi32, #tpu.memory_space<vmem>>
        %dma_wait3A_57 = arith.constant 0 : i32
        %dma_wait3A_58 = arith.constant 0 : i32
        %dma_wait3A_59 = tpu.memref_slice %arg5[%arg1, %dma_wait3A_57, %dma_wait3A_58] : memref<16x78x80xi32, #tpu.memory_space<hbm>> -> memref<1x78x80xi32, #tpu.memory_space<hbm>>
        %dma_wait3A_60 = tpu.memref_squeeze %dma_wait3A_59 : memref<1x78x80xi32, #tpu.memory_space<hbm>> -> memref<78x80xi32, #tpu.memory_space<hbm>>
        tpu.wait_dma2 semaphore(%run_scoped3A : memref<!tpu.dma_semaphore, #tpu.memory_space<semaphore_mem>>) src(%dma_wait3A_60 : memref<78x80xi32, #tpu.memory_space<hbm>>) dst(%dma_wait3A_56 : memref<78x80xi32, #tpu.memory_space<vmem>>)
        tpu.yield
      }) : () -> ()
      "tpu.region"() ({
        %run_scoped3A = tpu.sem_alloc : memref<!tpu.dma_semaphore, #tpu.memory_space<semaphore_mem>>
        %dma_start3A = arith.constant 0 : i32
        %dma_start3A_35 = arith.constant 0 : i32
        %dma_start3A_36 = tpu.memref_slice %arg9[%dma_start3A, %dma_start3A_35] : memref<172x80xi32, #tpu.memory_space<vmem>> -> memref<78x80xi32, #tpu.memory_space<vmem>>
        %dma_start3A_37 = arith.constant 0 : i32
        %dma_start3A_38 = arith.constant 0 : i32
        %dma_start3A_39 = tpu.memref_slice %arg6[%arg1, %dma_start3A_37, %dma_start3A_38] : memref<16x78x80xi32, #tpu.memory_space<hbm>> -> memref<1x78x80xi32, #tpu.memory_space<hbm>>
        %dma_start3A_40 = tpu.memref_squeeze %dma_start3A_39 : memref<1x78x80xi32, #tpu.memory_space<hbm>> -> memref<78x80xi32, #tpu.memory_space<hbm>>
        %dma_start3A_41 = arith.constant 0 : i32
        %dma_start3A_42 = arith.constant 0 : i32
        %dma_start3A_43 = tpu.memref_slice %arg9[%dma_start3A_41, %dma_start3A_42] : memref<172x80xi32, #tpu.memory_space<vmem>> -> memref<78x80xi32, #tpu.memory_space<vmem>>
        %dma_start3A_44 = arith.constant 0 : i32
        %dma_start3A_45 = arith.constant 0 : i32
        %dma_start3A_46 = tpu.memref_slice %arg6[%arg1, %dma_start3A_44, %dma_start3A_45] : memref<16x78x80xi32, #tpu.memory_space<hbm>> -> memref<1x78x80xi32, #tpu.memory_space<hbm>>
        %dma_start3A_47 = tpu.memref_squeeze %dma_start3A_46 : memref<1x78x80xi32, #tpu.memory_space<hbm>> -> memref<78x80xi32, #tpu.memory_space<hbm>>
        tpu.enqueue_dma source(%dma_start3A_47 : memref<78x80xi32, #tpu.memory_space<hbm>>) target(%dma_start3A_43 : memref<78x80xi32, #tpu.memory_space<vmem>>) target_semaphore(%run_scoped3A : memref<!tpu.dma_semaphore, #tpu.memory_space<semaphore_mem>>)
        %dma_wait3A = arith.constant 0 : i32
        %dma_wait3A_48 = arith.constant 0 : i32
        %dma_wait3A_49 = tpu.memref_slice %arg9[%dma_wait3A, %dma_wait3A_48] : memref<172x80xi32, #tpu.memory_space<vmem>> -> memref<78x80xi32, #tpu.memory_space<vmem>>
        %dma_wait3A_50 = arith.constant 0 : i32
        %dma_wait3A_51 = arith.constant 0 : i32
        %dma_wait3A_52 = tpu.memref_slice %arg6[%arg1, %dma_wait3A_50, %dma_wait3A_51] : memref<16x78x80xi32, #tpu.memory_space<hbm>> -> memref<1x78x80xi32, #tpu.memory_space<hbm>>
        %dma_wait3A_53 = tpu.memref_squeeze %dma_wait3A_52 : memref<1x78x80xi32, #tpu.memory_space<hbm>> -> memref<78x80xi32, #tpu.memory_space<hbm>>
        %dma_wait3A_54 = arith.constant 0 : i32
        %dma_wait3A_55 = arith.constant 0 : i32
        %dma_wait3A_56 = tpu.memref_slice %arg9[%dma_wait3A_54, %dma_wait3A_55] : memref<172x80xi32, #tpu.memory_space<vmem>> -> memref<78x80xi32, #tpu.memory_space<vmem>>
        %dma_wait3A_57 = arith.constant 0 : i32
        %dma_wait3A_58 = arith.constant 0 : i32
        %dma_wait3A_59 = tpu.memref_slice %arg6[%arg1, %dma_wait3A_57, %dma_wait3A_58] : memref<16x78x80xi32, #tpu.memory_space<hbm>> -> memref<1x78x80xi32, #tpu.memory_space<hbm>>
        %dma_wait3A_60 = tpu.memref_squeeze %dma_wait3A_59 : memref<1x78x80xi32, #tpu.memory_space<hbm>> -> memref<78x80xi32, #tpu.memory_space<hbm>>
        tpu.wait_dma2 semaphore(%run_scoped3A : memref<!tpu.dma_semaphore, #tpu.memory_space<semaphore_mem>>) src(%dma_wait3A_60 : memref<78x80xi32, #tpu.memory_space<hbm>>) dst(%dma_wait3A_56 : memref<78x80xi32, #tpu.memory_space<vmem>>)
        tpu.yield
      }) : () -> ()
    } else {
    }
    %scan3A = arith.constant 0 : i32
    %scan3A_7 = arith.constant 0 : i32
    %scan3A_8 = arith.constant 80 : i32
    %scan3A_9 = arith.addi %scan3A_7, %scan3A_8 : i32
    %scan3A_10 = arith.constant 1 : i32
    scf.for %scan3A_35 = %scan3A_7 to %scan3A_9 step %scan3A_10  : i32 {
      %scan3A_36 = arith.constant 0 : i32
      %scan3A_37 = arith.constant 8 : i32
      %scan3A_38 = arith.addi %scan3A_36, %scan3A_37 : i32
      %scan3A_39 = arith.constant 1 : i32
      scf.for %scan3A_41 = %scan3A_36 to %scan3A_38 step %scan3A_39  : i32 {
        %broadcast_in_dim3A = arith.constant 0.000000e+00 : f32
        %broadcast_in_dim3A_42 = vector.broadcast %broadcast_in_dim3A : f32 to vector<16xf32>
        %mul3A = arith.constant 16 : i32
        %mul3A_43 = arith.muli %scan3A_41, %mul3A : i32
        %swap3A = arith.index_cast %scan3A_35 : i32 to index
        %swap3A_44 = arith.index_cast %mul3A_43 : i32 to index
        %swap3A_45 = tpu.vector_load %arg10[%swap3A, %swap3A_44] {strides = array<i32>} : memref<80x128xf32, #tpu.memory_space<vmem>>, vector<1x16xf32>,
        %swap3A_46 = vector.shape_cast %swap3A_45 : vector<1x16xf32> to vector<16xf32>
        %swap3A_47 = vector.shape_cast %broadcast_in_dim3A_42 : vector<16xf32> to vector<1x16xf32>
        tpu.vector_store %arg10[%swap3A, %swap3A_44], %swap3A_47 {strides = array<i32>} : memref<80x128xf32, #tpu.memory_space<vmem>>, vector<1x16xf32>,
      }
      %scan3A_40 = arith.constant 8 : i32
    }
    %scan3A_11 = arith.constant 80 : i32
    %scan3A_12 = arith.constant 0 : i32
    %scan3A_13 = arith.constant 0 : i32
    %scan3A_14 = arith.constant 8 : i32
    %scan3A_15 = arith.addi %scan3A_13, %scan3A_14 : i32
    %scan3A_16 = arith.constant 1 : i32
    scf.for %scan3A_35 = %scan3A_13 to %scan3A_15 step %scan3A_16  : i32 {
      %mul3A = arith.constant 640 : i32
      %mul3A_36 = arith.muli %arg1, %mul3A : i32
      %mul3A_37 = arith.constant 80 : i32
      %mul3A_38 = arith.muli %scan3A_35, %mul3A_37 : i32
      %add3A = arith.addi %mul3A_36, %mul3A_38 : i32
      "tpu.region"() ({
        %run_scoped3A = tpu.sem_alloc : memref<!tpu.dma_semaphore, #tpu.memory_space<semaphore_mem>>
        %dma_start3A = arith.constant 0 : i32
        %dma_start3A_39 = tpu.memref_slice %arg12[%add3A, %dma_start3A] : memref<10240x128xf32, #tpu.memory_space<vmem_shared>> -> memref<80x128xf32, #tpu.memory_space<vmem_shared>>
        %dma_start3A_40 = arith.constant 0 : i32
        %dma_start3A_41 = tpu.memref_slice %arg12[%add3A, %dma_start3A_40] : memref<10240x128xf32, #tpu.memory_space<vmem_shared>> -> memref<80x128xf32, #tpu.memory_space<vmem_shared>>
        tpu.enqueue_dma source(%arg10 : memref<80x128xf32, #tpu.memory_space<vmem>>) target(%dma_start3A_41 : memref<80x128xf32, #tpu.memory_space<vmem_shared>>) target_semaphore(%run_scoped3A : memref<!tpu.dma_semaphore, #tpu.memory_space<semaphore_mem>>)
        %dma_wait3A = arith.constant 0 : i32
        %dma_wait3A_42 = tpu.memref_slice %arg12[%add3A, %dma_wait3A] : memref<10240x128xf32, #tpu.memory_space<vmem_shared>> -> memref<80x128xf32, #tpu.memory_space<vmem_shared>>
        %dma_wait3A_43 = arith.constant 0 : i32
        %dma_wait3A_44 = tpu.memref_slice %arg12[%add3A, %dma_wait3A_43] : memref<10240x128xf32, #tpu.memory_space<vmem_shared>> -> memref<80x128xf32, #tpu.memory_space<vmem_shared>>
        tpu.wait_dma2 semaphore(%run_scoped3A : memref<!tpu.dma_semaphore, #tpu.memory_space<semaphore_mem>>) src(%arg10 : memref<80x128xf32, #tpu.memory_space<vmem>>) dst(%dma_wait3A_44 : memref<80x128xf32, #tpu.memory_space<vmem_shared>>)
        tpu.yield
      }) : () -> ()
    }
    %scan3A_17 = arith.constant 8 : i32
    %barrier3A = arith.constant 0 : index
    tpu.barrier barrier_id(%barrier3A)
    %eq3A_18 = arith.constant 0 : i32
    %eq3A_19 = arith.cmpi eq, %arg0, %eq3A_18 : i32
    %convert_element_type3A_20 = arith.extui %eq3A_19 : i1 to i32
    %cond3A_21 = arith.constant 0 : i32
    %cond3A_22 = arith.cmpi ne, %convert_element_type3A_20, %cond3A_21 : i32
    scf.if %cond3A_22 {
      %dma_start3A = arith.constant 0 : i32
      %dma_start3A_35 = arith.constant 0 : i32
      %dma_start3A_36 = tpu.memref_slice %arg8[%dma_start3A, %dma_start3A_35] : memref<172x80xi32, #tpu.memory_space<vmem>> -> memref<1x80xi32, #tpu.memory_space<vmem>>
      %dma_start3A_37 = tpu.memref_squeeze %dma_start3A_36 : memref<1x80xi32, #tpu.memory_space<vmem>> -> memref<80xi32, #tpu.memory_space<vmem>>
      %dma_start3A_38 = arith.constant 0 : i32
      %dma_start3A_39 = arith.constant 0 : i32
      %dma_start3A_40 = tpu.memref_slice %arg2[%dma_start3A_38, %dma_start3A_39] : memref<10240x128xf32, #tpu.memory_space<hbm>> -> memref<10240x128xf32, #tpu.memory_space<hbm>>
      tpu.enqueue_indirect_dma source(%dma_start3A_40 : memref<10240x128xf32, #tpu.memory_space<hbm>>) target(%arg10 : memref<80x128xf32, #tpu.memory_space<vmem>>) offsets(%dma_start3A_37 : memref<80xi32, #tpu.memory_space<vmem>>) semaphore(%arg13 : memref<!tpu.dma_semaphore, #tpu.memory_space<semaphore_mem>>)
      %scan3A_41 = arith.constant 0 : i32
      %scan3A_42 = arith.constant 0 : i32
      %scan3A_43 = arith.constant 86 : i32
      %scan3A_44 = arith.addi %scan3A_42, %scan3A_43 : i32
      %scan3A_45 = arith.constant 1 : i32
      scf.for %scan3A_47 = %scan3A_42 to %scan3A_44 step %scan3A_45  : i32 {
        %mul3A = arith.constant 2 : i32
        %mul3A_48 = arith.muli %mul3A, %scan3A_47 : i32
        %add3A = arith.constant 1 : i32
        %add3A_49 = arith.addi %mul3A_48, %add3A : i32
        %dma_start3A_50 = arith.constant 0 : i32
        %dma_start3A_51 = tpu.memref_slice %arg8[%add3A_49, %dma_start3A_50] : memref<172x80xi32, #tpu.memory_space<vmem>> -> memref<1x80xi32, #tpu.memory_space<vmem>>
        %dma_start3A_52 = tpu.memref_squeeze %dma_start3A_51 : memref<1x80xi32, #tpu.memory_space<vmem>> -> memref<80xi32, #tpu.memory_space<vmem>>
        %dma_start3A_53 = arith.constant 0 : i32
        %dma_start3A_54 = arith.constant 0 : i32
        %dma_start3A_55 = tpu.memref_slice %arg2[%dma_start3A_53, %dma_start3A_54] : memref<10240x128xf32, #tpu.memory_space<hbm>> -> memref<10240x128xf32, #tpu.memory_space<hbm>>
        tpu.enqueue_indirect_dma source(%dma_start3A_55 : memref<10240x128xf32, #tpu.memory_space<hbm>>) target(%arg11 : memref<80x128xf32, #tpu.memory_space<vmem>>) offsets(%dma_start3A_52 : memref<80xi32, #tpu.memory_space<vmem>>) semaphore(%arg14 : memref<!tpu.dma_semaphore, #tpu.memory_space<semaphore_mem>>)
        %dma_wait3A = arith.constant 0 : i32
        %dma_wait3A_56 = tpu.memref_slice %arg8[%mul3A_48, %dma_wait3A] : memref<172x80xi32, #tpu.memory_space<vmem>> -> memref<1x80xi32, #tpu.memory_space<vmem>>
        %dma_wait3A_57 = tpu.memref_squeeze %dma_wait3A_56 : memref<1x80xi32, #tpu.memory_space<vmem>> -> memref<80xi32, #tpu.memory_space<vmem>>
        %dma_wait3A_58 = arith.constant 0 : i32
        %dma_wait3A_59 = arith.constant 0 : i32
        %dma_wait3A_60 = tpu.memref_slice %arg2[%dma_wait3A_58, %dma_wait3A_59] : memref<10240x128xf32, #tpu.memory_space<hbm>> -> memref<10240x128xf32, #tpu.memory_space<hbm>>
        tpu.wait_indirect_dma semaphore(%arg13 : memref<!tpu.dma_semaphore, #tpu.memory_space<semaphore_mem>>) src(%dma_wait3A_60 : memref<10240x128xf32, #tpu.memory_space<hbm>>) dst(%arg10 : memref<80x128xf32, #tpu.memory_space<vmem>>)
        "tpu.region"() ({
          %run_scoped3A = tpu.sem_alloc : memref<!tpu.dma_semaphore, #tpu.memory_space<semaphore_mem>>
          %dma_start3A_77 = arith.constant 0 : i32
          %dma_start3A_78 = tpu.memref_slice %arg9[%mul3A_48, %dma_start3A_77] : memref<172x80xi32, #tpu.memory_space<vmem>> -> memref<1x80xi32, #tpu.memory_space<vmem>>
          %dma_start3A_79 = tpu.memref_squeeze %dma_start3A_78 : memref<1x80xi32, #tpu.memory_space<vmem>> -> memref<80xi32, #tpu.memory_space<vmem>>
          %dma_start3A_80 = arith.constant 0 : i32
          %dma_start3A_81 = arith.constant 0 : i32
          %dma_start3A_82 = tpu.memref_slice %arg12[%dma_start3A_80, %dma_start3A_81] : memref<10240x128xf32, #tpu.memory_space<vmem_shared>> -> memref<10240x128xf32, #tpu.memory_space<vmem_shared>>
          tpu.enqueue_indirect_dma source(%arg10 : memref<80x128xf32, #tpu.memory_space<vmem>>) target(%dma_start3A_82 : memref<10240x128xf32, #tpu.memory_space<vmem_shared>>) offsets(%dma_start3A_79 : memref<80xi32, #tpu.memory_space<vmem>>) semaphore(%run_scoped3A : memref<!tpu.dma_semaphore, #tpu.memory_space<semaphore_mem>>) {add = true}
          %dma_wait3A_83 = arith.constant 0 : i32
          %dma_wait3A_84 = tpu.memref_slice %arg9[%mul3A_48, %dma_wait3A_83] : memref<172x80xi32, #tpu.memory_space<vmem>> -> memref<1x80xi32, #tpu.memory_space<vmem>>
          %dma_wait3A_85 = tpu.memref_squeeze %dma_wait3A_84 : memref<1x80xi32, #tpu.memory_space<vmem>> -> memref<80xi32, #tpu.memory_space<vmem>>
          %dma_wait3A_86 = arith.constant 0 : i32
          %dma_wait3A_87 = arith.constant 0 : i32
          %dma_wait3A_88 = tpu.memref_slice %arg12[%dma_wait3A_86, %dma_wait3A_87] : memref<10240x128xf32, #tpu.memory_space<vmem_shared>> -> memref<10240x128xf32, #tpu.memory_space<vmem_shared>>
          tpu.wait_indirect_dma semaphore(%run_scoped3A : memref<!tpu.dma_semaphore, #tpu.memory_space<semaphore_mem>>) src(%arg10 : memref<80x128xf32, #tpu.memory_space<vmem>>) dst(%dma_wait3A_88 : memref<10240x128xf32, #tpu.memory_space<vmem_shared>>)
          tpu.yield
        }) : () -> ()
        %add3A_61 = arith.constant 2 : i32
        %add3A_62 = arith.addi %mul3A_48, %add3A_61 : i32
        %lt3A = arith.constant 172 : i32
        %lt3A_63 = arith.cmpi slt, %add3A_62, %lt3A : i32
        %convert_element_type3A_64 = arith.extui %lt3A_63 : i1 to i32
        %cond3A_65 = arith.constant 0 : i32
        %cond3A_66 = arith.cmpi ne, %convert_element_type3A_64, %cond3A_65 : i32
        scf.if %cond3A_66 {
          %add3A_77 = arith.constant 2 : i32
          %add3A_78 = arith.addi %mul3A_48, %add3A_77 : i32
          %dma_start3A_79 = arith.constant 0 : i32
          %dma_start3A_80 = tpu.memref_slice %arg8[%add3A_78, %dma_start3A_79] : memref<172x80xi32, #tpu.memory_space<vmem>> -> memref<1x80xi32, #tpu.memory_space<vmem>>
          %dma_start3A_81 = tpu.memref_squeeze %dma_start3A_80 : memref<1x80xi32, #tpu.memory_space<vmem>> -> memref<80xi32, #tpu.memory_space<vmem>>
          %dma_start3A_82 = arith.constant 0 : i32
          %dma_start3A_83 = arith.constant 0 : i32
          %dma_start3A_84 = tpu.memref_slice %arg2[%dma_start3A_82, %dma_start3A_83] : memref<10240x128xf32, #tpu.memory_space<hbm>> -> memref<10240x128xf32, #tpu.memory_space<hbm>>
          tpu.enqueue_indirect_dma source(%dma_start3A_84 : memref<10240x128xf32, #tpu.memory_space<hbm>>) target(%arg10 : memref<80x128xf32, #tpu.memory_space<vmem>>) offsets(%dma_start3A_81 : memref<80xi32, #tpu.memory_space<vmem>>) semaphore(%arg13 : memref<!tpu.dma_semaphore, #tpu.memory_space<semaphore_mem>>)
        } else {
        }
        %add3A_67 = arith.constant 1 : i32
        %add3A_68 = arith.addi %mul3A_48, %add3A_67 : i32
        %dma_wait3A_69 = arith.constant 0 : i32
        %dma_wait3A_70 = tpu.memref_slice %arg8[%add3A_68, %dma_wait3A_69] : memref<172x80xi32, #tpu.memory_space<vmem>> -> memref<1x80xi32, #tpu.memory_space<vmem>>
        %dma_wait3A_71 = tpu.memref_squeeze %dma_wait3A_70 : memref<1x80xi32, #tpu.memory_space<vmem>> -> memref<80xi32, #tpu.memory_space<vmem>>
        %dma_wait3A_72 = arith.constant 0 : i32
        %dma_wait3A_73 = arith.constant 0 : i32
        %dma_wait3A_74 = tpu.memref_slice %arg2[%dma_wait3A_72, %dma_wait3A_73] : memref<10240x128xf32, #tpu.memory_space<hbm>> -> memref<10240x128xf32, #tpu.memory_space<hbm>>
        tpu.wait_indirect_dma semaphore(%arg14 : memref<!tpu.dma_semaphore, #tpu.memory_space<semaphore_mem>>) src(%dma_wait3A_74 : memref<10240x128xf32, #tpu.memory_space<hbm>>) dst(%arg11 : memref<80x128xf32, #tpu.memory_space<vmem>>)
        %add3A_75 = arith.constant 1 : i32
        %add3A_76 = arith.addi %mul3A_48, %add3A_75 : i32
        "tpu.region"() ({
          %run_scoped3A = tpu.sem_alloc : memref<!tpu.dma_semaphore, #tpu.memory_space<semaphore_mem>>
          %dma_start3A_77 = arith.constant 0 : i32
          %dma_start3A_78 = tpu.memref_slice %arg9[%add3A_76, %dma_start3A_77] : memref<172x80xi32, #tpu.memory_space<vmem>> -> memref<1x80xi32, #tpu.memory_space<vmem>>
          %dma_start3A_79 = tpu.memref_squeeze %dma_start3A_78 : memref<1x80xi32, #tpu.memory_space<vmem>> -> memref<80xi32, #tpu.memory_space<vmem>>
          %dma_start3A_80 = arith.constant 0 : i32
          %dma_start3A_81 = arith.constant 0 : i32
          %dma_start3A_82 = tpu.memref_slice %arg12[%dma_start3A_80, %dma_start3A_81] : memref<10240x128xf32, #tpu.memory_space<vmem_shared>> -> memref<10240x128xf32, #tpu.memory_space<vmem_shared>>
          tpu.enqueue_indirect_dma source(%arg11 : memref<80x128xf32, #tpu.memory_space<vmem>>) target(%dma_start3A_82 : memref<10240x128xf32, #tpu.memory_space<vmem_shared>>) offsets(%dma_start3A_79 : memref<80xi32, #tpu.memory_space<vmem>>) semaphore(%run_scoped3A : memref<!tpu.dma_semaphore, #tpu.memory_space<semaphore_mem>>) {add = true}
          %dma_wait3A_83 = arith.constant 0 : i32
          %dma_wait3A_84 = tpu.memref_slice %arg9[%add3A_76, %dma_wait3A_83] : memref<172x80xi32, #tpu.memory_space<vmem>> -> memref<1x80xi32, #tpu.memory_space<vmem>>
          %dma_wait3A_85 = tpu.memref_squeeze %dma_wait3A_84 : memref<1x80xi32, #tpu.memory_space<vmem>> -> memref<80xi32, #tpu.memory_space<vmem>>
          %dma_wait3A_86 = arith.constant 0 : i32
          %dma_wait3A_87 = arith.constant 0 : i32
          %dma_wait3A_88 = tpu.memref_slice %arg12[%dma_wait3A_86, %dma_wait3A_87] : memref<10240x128xf32, #tpu.memory_space<vmem_shared>> -> memref<10240x128xf32, #tpu.memory_space<vmem_shared>>
          tpu.wait_indirect_dma semaphore(%run_scoped3A : memref<!tpu.dma_semaphore, #tpu.memory_space<semaphore_mem>>) src(%arg11 : memref<80x128xf32, #tpu.memory_space<vmem>>) dst(%dma_wait3A_88 : memref<10240x128xf32, #tpu.memory_space<vmem_shared>>)
          tpu.yield
        }) : () -> ()
      }
      %scan3A_46 = arith.constant 86 : i32
    } else {
    }
    %eq3A_23 = arith.constant 1 : i32
    %eq3A_24 = arith.cmpi eq, %arg0, %eq3A_23 : i32
    %convert_element_type3A_25 = arith.extui %eq3A_24 : i1 to i32
    %cond3A_26 = arith.constant 0 : i32
    %cond3A_27 = arith.cmpi ne, %convert_element_type3A_25, %cond3A_26 : i32
    scf.if %cond3A_27 {
      %scan3A_35 = arith.constant 0 : i32
      %scan3A_36 = arith.constant 0 : i32
      %scan3A_37 = arith.constant 78 : i32
      %scan3A_38 = arith.addi %scan3A_36, %scan3A_37 : i32
      %scan3A_39 = arith.constant 1 : i32
      scf.for %scan3A_41 = %scan3A_36 to %scan3A_38 step %scan3A_39  : i32 {
        %dma_start3A = arith.constant 0 : i32
        %dma_start3A_42 = tpu.memref_slice %arg8[%scan3A_41, %dma_start3A] : memref<172x80xi32, #tpu.memory_space<vmem>> -> memref<1x80xi32, #tpu.memory_space<vmem>>
        %dma_start3A_43 = tpu.memref_squeeze %dma_start3A_42 : memref<1x80xi32, #tpu.memory_space<vmem>> -> memref<80xi32, #tpu.memory_space<vmem>>
        %dma_start3A_44 = arith.constant 0 : i32
        %dma_start3A_45 = arith.constant 0 : i32
        %dma_start3A_46 = tpu.memref_slice %arg2[%dma_start3A_44, %dma_start3A_45] : memref<10240x128xf32, #tpu.memory_space<hbm>> -> memref<10240x128xf32, #tpu.memory_space<hbm>>
        tpu.enqueue_indirect_dma source(%dma_start3A_46 : memref<10240x128xf32, #tpu.memory_space<hbm>>) target(%arg10 : memref<80x128xf32, #tpu.memory_space<vmem>>) offsets(%dma_start3A_43 : memref<80xi32, #tpu.memory_space<vmem>>) semaphore(%arg13 : memref<!tpu.dma_semaphore, #tpu.memory_space<semaphore_mem>>)
        %dma_wait3A = arith.constant 0 : i32
        %dma_wait3A_47 = tpu.memref_slice %arg8[%scan3A_41, %dma_wait3A] : memref<172x80xi32, #tpu.memory_space<vmem>> -> memref<1x80xi32, #tpu.memory_space<vmem>>
        %dma_wait3A_48 = tpu.memref_squeeze %dma_wait3A_47 : memref<1x80xi32, #tpu.memory_space<vmem>> -> memref<80xi32, #tpu.memory_space<vmem>>
        %dma_wait3A_49 = arith.constant 0 : i32
        %dma_wait3A_50 = arith.constant 0 : i32
        %dma_wait3A_51 = tpu.memref_slice %arg2[%dma_wait3A_49, %dma_wait3A_50] : memref<10240x128xf32, #tpu.memory_space<hbm>> -> memref<10240x128xf32, #tpu.memory_space<hbm>>
        tpu.wait_indirect_dma semaphore(%arg13 : memref<!tpu.dma_semaphore, #tpu.memory_space<semaphore_mem>>) src(%dma_wait3A_51 : memref<10240x128xf32, #tpu.memory_space<hbm>>) dst(%arg10 : memref<80x128xf32, #tpu.memory_space<vmem>>)
        "tpu.region"() ({
          %run_scoped3A = tpu.sem_alloc : memref<!tpu.dma_semaphore, #tpu.memory_space<semaphore_mem>>
          %dma_start3A_52 = arith.constant 0 : i32
          %dma_start3A_53 = tpu.memref_slice %arg9[%scan3A_41, %dma_start3A_52] : memref<172x80xi32, #tpu.memory_space<vmem>> -> memref<1x80xi32, #tpu.memory_space<vmem>>
          %dma_start3A_54 = tpu.memref_squeeze %dma_start3A_53 : memref<1x80xi32, #tpu.memory_space<vmem>> -> memref<80xi32, #tpu.memory_space<vmem>>
          %dma_start3A_55 = arith.constant 0 : i32
          %dma_start3A_56 = arith.constant 0 : i32
          %dma_start3A_57 = tpu.memref_slice %arg12[%dma_start3A_55, %dma_start3A_56] : memref<10240x128xf32, #tpu.memory_space<vmem_shared>> -> memref<10240x128xf32, #tpu.memory_space<vmem_shared>>
          tpu.enqueue_indirect_dma source(%arg10 : memref<80x128xf32, #tpu.memory_space<vmem>>) target(%dma_start3A_57 : memref<10240x128xf32, #tpu.memory_space<vmem_shared>>) offsets(%dma_start3A_54 : memref<80xi32, #tpu.memory_space<vmem>>) semaphore(%run_scoped3A : memref<!tpu.dma_semaphore, #tpu.memory_space<semaphore_mem>>) {add = true}
          %dma_wait3A_58 = arith.constant 0 : i32
          %dma_wait3A_59 = tpu.memref_slice %arg9[%scan3A_41, %dma_wait3A_58] : memref<172x80xi32, #tpu.memory_space<vmem>> -> memref<1x80xi32, #tpu.memory_space<vmem>>
          %dma_wait3A_60 = tpu.memref_squeeze %dma_wait3A_59 : memref<1x80xi32, #tpu.memory_space<vmem>> -> memref<80xi32, #tpu.memory_space<vmem>>
          %dma_wait3A_61 = arith.constant 0 : i32
          %dma_wait3A_62 = arith.constant 0 : i32
          %dma_wait3A_63 = tpu.memref_slice %arg12[%dma_wait3A_61, %dma_wait3A_62] : memref<10240x128xf32, #tpu.memory_space<vmem_shared>> -> memref<10240x128xf32, #tpu.memory_space<vmem_shared>>
          tpu.wait_indirect_dma semaphore(%run_scoped3A : memref<!tpu.dma_semaphore, #tpu.memory_space<semaphore_mem>>) src(%arg10 : memref<80x128xf32, #tpu.memory_space<vmem>>) dst(%dma_wait3A_63 : memref<10240x128xf32, #tpu.memory_space<vmem_shared>>)
          tpu.yield
        }) : () -> ()
      }
      %scan3A_40 = arith.constant 78 : i32
    } else {
    }
    %barrier3A_28 = arith.constant 0 : index
    tpu.barrier barrier_id(%barrier3A_28)
    %scan3A_29 = arith.constant 0 : i32
    %scan3A_30 = arith.constant 0 : i32
    %scan3A_31 = arith.constant 8 : i32
    %scan3A_32 = arith.addi %scan3A_30, %scan3A_31 : i32
    %scan3A_33 = arith.constant 1 : i32
    scf.for %scan3A_35 = %scan3A_30 to %scan3A_32 step %scan3A_33  : i32 {
      %mul3A = arith.constant 640 : i32
      %mul3A_36 = arith.muli %arg1, %mul3A : i32
      %mul3A_37 = arith.constant 80 : i32
      %mul3A_38 = arith.muli %scan3A_35, %mul3A_37 : i32
      %add3A = arith.addi %mul3A_36, %mul3A_38 : i32
      "tpu.region"() ({
        %run_scoped3A = tpu.sem_alloc : memref<!tpu.dma_semaphore, #tpu.memory_space<semaphore_mem>>
        %dma_start3A = arith.constant 0 : i32
        %dma_start3A_39 = tpu.memref_slice %arg12[%add3A, %dma_start3A] : memref<10240x128xf32, #tpu.memory_space<vmem_shared>> -> memref<80x128xf32, #tpu.memory_space<vmem_shared>>
        %dma_start3A_40 = arith.constant 0 : i32
        %dma_start3A_41 = tpu.memref_slice %arg12[%add3A, %dma_start3A_40] : memref<10240x128xf32, #tpu.memory_space<vmem_shared>> -> memref<80x128xf32, #tpu.memory_space<vmem_shared>>
        tpu.enqueue_dma source(%dma_start3A_41 : memref<80x128xf32, #tpu.memory_space<vmem_shared>>) target(%arg10 : memref<80x128xf32, #tpu.memory_space<vmem>>) target_semaphore(%run_scoped3A : memref<!tpu.dma_semaphore, #tpu.memory_space<semaphore_mem>>)
        %dma_wait3A = arith.constant 0 : i32
        %dma_wait3A_42 = tpu.memref_slice %arg12[%add3A, %dma_wait3A] : memref<10240x128xf32, #tpu.memory_space<vmem_shared>> -> memref<80x128xf32, #tpu.memory_space<vmem_shared>>
        %dma_wait3A_43 = arith.constant 0 : i32
        %dma_wait3A_44 = tpu.memref_slice %arg12[%add3A, %dma_wait3A_43] : memref<10240x128xf32, #tpu.memory_space<vmem_shared>> -> memref<80x128xf32, #tpu.memory_space<vmem_shared>>
        tpu.wait_dma2 semaphore(%run_scoped3A : memref<!tpu.dma_semaphore, #tpu.memory_space<semaphore_mem>>) src(%dma_wait3A_44 : memref<80x128xf32, #tpu.memory_space<vmem_shared>>) dst(%arg10 : memref<80x128xf32, #tpu.memory_space<vmem>>)
        tpu.yield
      }) : () -> ()
      "tpu.region"() ({
        %run_scoped3A = tpu.sem_alloc : memref<!tpu.dma_semaphore, #tpu.memory_space<semaphore_mem>>
        %dma_start3A = arith.constant 0 : i32
        %dma_start3A_39 = tpu.memref_slice %arg7[%arg0, %add3A, %dma_start3A] : memref<2x10240x128xf32, #tpu.memory_space<hbm>> -> memref<1x80x128xf32, #tpu.memory_space<hbm>>
        %dma_start3A_40 = tpu.memref_squeeze %dma_start3A_39 : memref<1x80x128xf32, #tpu.memory_space<hbm>> -> memref<80x128xf32, #tpu.memory_space<hbm>>
        %dma_start3A_41 = arith.constant 0 : i32
        %dma_start3A_42 = tpu.memref_slice %arg7[%arg0, %add3A, %dma_start3A_41] : memref<2x10240x128xf32, #tpu.memory_space<hbm>> -> memref<1x80x128xf32, #tpu.memory_space<hbm>>
        %dma_start3A_43 = tpu.memref_squeeze %dma_start3A_42 : memref<1x80x128xf32, #tpu.memory_space<hbm>> -> memref<80x128xf32, #tpu.memory_space<hbm>>
        tpu.enqueue_dma source(%arg10 : memref<80x128xf32, #tpu.memory_space<vmem>>) target(%dma_start3A_43 : memref<80x128xf32, #tpu.memory_space<hbm>>) target_semaphore(%run_scoped3A : memref<!tpu.dma_semaphore, #tpu.memory_space<semaphore_mem>>)
        %dma_wait3A = arith.constant 0 : i32
        %dma_wait3A_44 = tpu.memref_slice %arg7[%arg0, %add3A, %dma_wait3A] : memref<2x10240x128xf32, #tpu.memory_space<hbm>> -> memref<1x80x128xf32, #tpu.memory_space<hbm>>
        %dma_wait3A_45 = tpu.memref_squeeze %dma_wait3A_44 : memref<1x80x128xf32, #tpu.memory_space<hbm>> -> memref<80x128xf32, #tpu.memory_space<hbm>>
        %dma_wait3A_46 = arith.constant 0 : i32
        %dma_wait3A_47 = tpu.memref_slice %arg7[%arg0, %add3A, %dma_wait3A_46] : memref<2x10240x128xf32, #tpu.memory_space<hbm>> -> memref<1x80x128xf32, #tpu.memory_space<hbm>>
        %dma_wait3A_48 = tpu.memref_squeeze %dma_wait3A_47 : memref<1x80x128xf32, #tpu.memory_space<hbm>> -> memref<80x128xf32, #tpu.memory_space<hbm>>
        tpu.wait_dma2 semaphore(%run_scoped3A : memref<!tpu.dma_semaphore, #tpu.memory_space<semaphore_mem>>) src(%arg10 : memref<80x128xf32, #tpu.memory_space<vmem>>) dst(%dma_wait3A_48 : memref<80x128xf32, #tpu.memory_space<hbm>>)
        tpu.yield
      }) : () -> ()
    }
    %scan3A_34 = arith.constant 8 : i32
    return
  }
}

module attributes {stable_mosaic.version = 14 : i64} {
  func.func @_scale_x_block(%arg0: i32, %arg1: memref<1024x128xf32, #tpu.memory_space<vmem>>, %arg2: memref<2x1024x8xf32, #tpu.memory_space<vmem>>, %arg3: memref<1024x128xf32, #tpu.memory_space<vmem>>) attributes {dimension_semantics = [#tpu.dimension_semantics<arbitrary>], iteration_bounds = array<i64: 10>, scalar_prefetch = 0 : i64, scratch_operands = 0 : i64, tpu.core_type = #tpu.core_type<tc>, window_params = [{transform_indices = @transform_0, window_bounds = array<i64: 1024, 128>}, {transform_indices = @transform_1, window_bounds = array<i64: 2, 1024, 8>}, {transform_indices = @transform_2, window_bounds = array<i64: 1024, 128>}]} {
    %get3A = arith.constant 0 : index
    %get3A_0 = arith.constant 0 : index
    %get3A_1 = arith.constant 0 : index
    %get3A_2 = vector.load %arg2[%get3A, %get3A_0, %get3A_1] : memref<2x1024x8xf32, #tpu.memory_space<vmem>>, vector<1x1024x1xf32>
    %get3A_3 = vector.shape_cast %get3A_2 : vector<1x1024x1xf32> to vector<1024x1xf32>
    %max3A = arith.constant 1.000000e+00 : f32
    %max3A_4 = vector.broadcast %max3A : f32 to vector<1024x1xf32>
    %max3A_5 = arith.maximumf %get3A_3, %max3A_4 : vector<1024x1xf32>
    %rsqrt3A = math.rsqrt %max3A_5 : vector<1024x1xf32>
    %get3A_6 = arith.constant 0 : index
    %get3A_7 = arith.constant 0 : index
    %get3A_8 = vector.load %arg1[%get3A_6, %get3A_7] : memref<1024x128xf32, #tpu.memory_space<vmem>>, vector<1024x128xf32>
    %mul3A = vector.broadcast %rsqrt3A : vector<1024x1xf32> to vector<1024x128xf32>
    %mul3A_9 = arith.mulf %get3A_8, %mul3A : vector<1024x128xf32>
    %swap3A = arith.constant 0 : index
    %swap3A_10 = arith.constant 0 : index
    %swap3A_11 = vector.load %arg3[%swap3A, %swap3A_10] : memref<1024x128xf32, #tpu.memory_space<vmem>>, vector<1024x128xf32>
    tpu.vector_store %arg3[%swap3A, %swap3A_10], %mul3A_9 {strides = array<i32>} : memref<1024x128xf32, #tpu.memory_space<vmem>>, vector<1024x128xf32>,
    return
  }
  func.func @transform_0(%arg0: i32) -> (i32, i32) {
    %c0_i32 = arith.constant 0 : i32
    %c0_i32_0 = arith.constant 0 : i32
    return %arg0, %c0_i32 : i32, i32
  }
  func.func @transform_1(%arg0: i32) -> (i32, i32, i32) {
    %c0_i32 = arith.constant 0 : i32
    %c0_i32_0 = arith.constant 0 : i32
    %c0_i32_1 = arith.constant 0 : i32
    return %c0_i32, %arg0, %c0_i32_0 : i32, i32, i32
  }
  func.func @transform_2(%arg0: i32) -> (i32, i32) {
    %c0_i32 = arith.constant 0 : i32
    %c0_i32_0 = arith.constant 0 : i32
    return %arg0, %c0_i32 : i32, i32
  }
}

module attributes {stable_mosaic.version = 14 : i64} {
  func.func @_layer_block(%arg0: i32, %arg1: memref<2x1024x128xf32, #tpu.memory_space<vmem>>, %arg2: memref<2x1024x8xf32, #tpu.memory_space<vmem>>, %arg3: memref<128x128xf32, #tpu.memory_space<vmem>>, %arg4: memref<1x128xf32, #tpu.memory_space<vmem>>, %arg5: memref<1024x128xf32, #tpu.memory_space<vmem>>) attributes {dimension_semantics = [#tpu.dimension_semantics<arbitrary>], iteration_bounds = array<i64: 10>, scalar_prefetch = 0 : i64, scratch_operands = 0 : i64, tpu.core_type = #tpu.core_type<tc>, window_params = [{transform_indices = @transform_0, window_bounds = array<i64: 2, 1024, 128>}, {transform_indices = @transform_1, window_bounds = array<i64: 2, 1024, 8>}, {pipeline_mode = #tpu.pipeline_mode<synchronous>, transform_indices = @transform_2, window_bounds = array<i64: 128, 128>}, {pipeline_mode = #tpu.pipeline_mode<synchronous>, transform_indices = @transform_3, window_bounds = array<i64: 1, 128>}, {transform_indices = @transform_4, window_bounds = array<i64: 1024, 128>}]} {
    %get3A = arith.constant 0 : index
    %get3A_0 = arith.constant 0 : index
    %get3A_1 = arith.constant 0 : index
    %get3A_2 = vector.load %arg1[%get3A, %get3A_0, %get3A_1] : memref<2x1024x128xf32, #tpu.memory_space<vmem>>, vector<1x1024x128xf32>
    %get3A_3 = vector.shape_cast %get3A_2 : vector<1x1024x128xf32> to vector<1024x128xf32>
    %get3A_4 = arith.constant 1 : index
    %get3A_5 = arith.constant 0 : index
    %get3A_6 = arith.constant 0 : index
    %get3A_7 = vector.load %arg1[%get3A_4, %get3A_5, %get3A_6] : memref<2x1024x128xf32, #tpu.memory_space<vmem>>, vector<1x1024x128xf32>
    %get3A_8 = vector.shape_cast %get3A_7 : vector<1x1024x128xf32> to vector<1024x128xf32>
    %add3A = arith.addf %get3A_3, %get3A_8 : vector<1024x128xf32>
    %get3A_9 = arith.constant 1 : index
    %get3A_10 = arith.constant 0 : index
    %get3A_11 = arith.constant 0 : index
    %get3A_12 = vector.load %arg2[%get3A_9, %get3A_10, %get3A_11] : memref<2x1024x8xf32, #tpu.memory_space<vmem>>, vector<1x1024x1xf32>
    %get3A_13 = vector.shape_cast %get3A_12 : vector<1x1024x1xf32> to vector<1024x1xf32>
    %max3A = arith.constant 1.000000e+00 : f32
    %max3A_14 = vector.broadcast %max3A : f32 to vector<1024x1xf32>
    %max3A_15 = arith.maximumf %get3A_13, %max3A_14 : vector<1024x1xf32>
    %rsqrt3A = math.rsqrt %max3A_15 : vector<1024x1xf32>
    %mul3A = vector.broadcast %rsqrt3A : vector<1024x1xf32> to vector<1024x128xf32>
    %mul3A_16 = arith.mulf %add3A, %mul3A : vector<1024x128xf32>
    %get3A_17 = arith.constant 0 : index
    %get3A_18 = arith.constant 0 : index
    %get3A_19 = vector.load %arg3[%get3A_17, %get3A_18] : memref<128x128xf32, #tpu.memory_space<vmem>>, vector<128x128xf32>
    %dot_general3A = arith.constant dense<0.000000e+00> : vector<1024x128xf32>
    %dot_general3A_20 = tpu.matmul %mul3A_16, %get3A_19, %dot_general3A {dimension_numbers = #tpu.dot_dimension_numbers<[1], [0], [0], [1], [0, 0, 1, 1], [], []>, transpose_lhs_hint = false} : vector<1024x128xf32>, vector<128x128xf32>, vector<1024x128xf32> -> vector<1024x128xf32>
    %get3A_21 = arith.constant 0 : index
    %get3A_22 = arith.constant 0 : index
    %get3A_23 = vector.load %arg4[%get3A_21, %get3A_22] : memref<1x128xf32, #tpu.memory_space<vmem>>, vector<1x128xf32>
    %add3A_24 = vector.broadcast %get3A_23 : vector<1x128xf32> to vector<1024x128xf32>
    %add3A_25 = arith.addf %dot_general3A_20, %add3A_24 : vector<1024x128xf32>
    %max3A_26 = arith.constant 0.000000e+00 : f32
    %max3A_27 = vector.broadcast %max3A_26 : f32 to vector<1024x128xf32>
    %max3A_28 = arith.maximumf %add3A_25, %max3A_27 : vector<1024x128xf32>
    %get3A_29 = arith.constant 0 : index
    %get3A_30 = arith.constant 0 : index
    %get3A_31 = arith.constant 0 : index
    %get3A_32 = vector.load %arg2[%get3A_29, %get3A_30, %get3A_31] : memref<2x1024x8xf32, #tpu.memory_space<vmem>>, vector<1x1024x1xf32>
    %get3A_33 = vector.shape_cast %get3A_32 : vector<1x1024x1xf32> to vector<1024x1xf32>
    %max3A_34 = arith.constant 1.000000e+00 : f32
    %max3A_35 = vector.broadcast %max3A_34 : f32 to vector<1024x1xf32>
    %max3A_36 = arith.maximumf %get3A_33, %max3A_35 : vector<1024x1xf32>
    %rsqrt3A_37 = math.rsqrt %max3A_36 : vector<1024x1xf32>
    %mul3A_38 = vector.broadcast %rsqrt3A_37 : vector<1024x1xf32> to vector<1024x128xf32>
    %mul3A_39 = arith.mulf %max3A_28, %mul3A_38 : vector<1024x128xf32>
    %swap3A = arith.constant 0 : index
    %swap3A_40 = arith.constant 0 : index
    %swap3A_41 = vector.load %arg5[%swap3A, %swap3A_40] : memref<1024x128xf32, #tpu.memory_space<vmem>>, vector<1024x128xf32>
    tpu.vector_store %arg5[%swap3A, %swap3A_40], %mul3A_39 {strides = array<i32>} : memref<1024x128xf32, #tpu.memory_space<vmem>>, vector<1024x128xf32>,
    return
  }
  func.func @transform_0(%arg0: i32) -> (i32, i32, i32) {
    %c0_i32 = arith.constant 0 : i32
    %c0_i32_0 = arith.constant 0 : i32
    %c0_i32_1 = arith.constant 0 : i32
    return %c0_i32, %arg0, %c0_i32_0 : i32, i32, i32
  }
  func.func @transform_1(%arg0: i32) -> (i32, i32, i32) {
    %c0_i32 = arith.constant 0 : i32
    %c0_i32_0 = arith.constant 0 : i32
    %c0_i32_1 = arith.constant 0 : i32
    return %c0_i32, %arg0, %c0_i32_0 : i32, i32, i32
  }
  func.func @transform_2(%arg0: i32) -> (i32, i32) {
    %c0_i32 = arith.constant 0 : i32
    %c0_i32_0 = arith.constant 0 : i32
    %c0_i32_1 = arith.constant 0 : i32
    return %c0_i32, %c0_i32_0 : i32, i32
  }
  func.func @transform_3(%arg0: i32) -> (i32, i32) {
    %c0_i32 = arith.constant 0 : i32
    %c0_i32_0 = arith.constant 0 : i32
    %c0_i32_1 = arith.constant 0 : i32
    return %c0_i32, %c0_i32_0 : i32, i32
  }
  func.func @transform_4(%arg0: i32) -> (i32, i32) {
    %c0_i32 = arith.constant 0 : i32
    %c0_i32_0 = arith.constant 0 : i32
    return %arg0, %c0_i32 : i32, i32
  }
}

module attributes {stable_mosaic.version = 14 : i64} {
  func.func @_layer_block(%arg0: i32, %arg1: memref<2x1024x128xf32, #tpu.memory_space<vmem>>, %arg2: memref<2x1024x8xf32, #tpu.memory_space<vmem>>, %arg3: memref<128x128xf32, #tpu.memory_space<vmem>>, %arg4: memref<1x128xf32, #tpu.memory_space<vmem>>, %arg5: memref<1024x128xf32, #tpu.memory_space<vmem>>) attributes {dimension_semantics = [#tpu.dimension_semantics<arbitrary>], iteration_bounds = array<i64: 10>, scalar_prefetch = 0 : i64, scratch_operands = 0 : i64, tpu.core_type = #tpu.core_type<tc>, window_params = [{transform_indices = @transform_0, window_bounds = array<i64: 2, 1024, 128>}, {transform_indices = @transform_1, window_bounds = array<i64: 2, 1024, 8>}, {pipeline_mode = #tpu.pipeline_mode<synchronous>, transform_indices = @transform_2, window_bounds = array<i64: 128, 128>}, {pipeline_mode = #tpu.pipeline_mode<synchronous>, transform_indices = @transform_3, window_bounds = array<i64: 1, 128>}, {transform_indices = @transform_4, window_bounds = array<i64: 1024, 128>}]} {
    %get3A = arith.constant 0 : index
    %get3A_0 = arith.constant 0 : index
    %get3A_1 = arith.constant 0 : index
    %get3A_2 = vector.load %arg1[%get3A, %get3A_0, %get3A_1] : memref<2x1024x128xf32, #tpu.memory_space<vmem>>, vector<1x1024x128xf32>
    %get3A_3 = vector.shape_cast %get3A_2 : vector<1x1024x128xf32> to vector<1024x128xf32>
    %get3A_4 = arith.constant 1 : index
    %get3A_5 = arith.constant 0 : index
    %get3A_6 = arith.constant 0 : index
    %get3A_7 = vector.load %arg1[%get3A_4, %get3A_5, %get3A_6] : memref<2x1024x128xf32, #tpu.memory_space<vmem>>, vector<1x1024x128xf32>
    %get3A_8 = vector.shape_cast %get3A_7 : vector<1x1024x128xf32> to vector<1024x128xf32>
    %add3A = arith.addf %get3A_3, %get3A_8 : vector<1024x128xf32>
    %get3A_9 = arith.constant 1 : index
    %get3A_10 = arith.constant 0 : index
    %get3A_11 = arith.constant 0 : index
    %get3A_12 = vector.load %arg2[%get3A_9, %get3A_10, %get3A_11] : memref<2x1024x8xf32, #tpu.memory_space<vmem>>, vector<1x1024x1xf32>
    %get3A_13 = vector.shape_cast %get3A_12 : vector<1x1024x1xf32> to vector<1024x1xf32>
    %max3A = arith.constant 1.000000e+00 : f32
    %max3A_14 = vector.broadcast %max3A : f32 to vector<1024x1xf32>
    %max3A_15 = arith.maximumf %get3A_13, %max3A_14 : vector<1024x1xf32>
    %rsqrt3A = math.rsqrt %max3A_15 : vector<1024x1xf32>
    %mul3A = vector.broadcast %rsqrt3A : vector<1024x1xf32> to vector<1024x128xf32>
    %mul3A_16 = arith.mulf %add3A, %mul3A : vector<1024x128xf32>
    %get3A_17 = arith.constant 0 : index
    %get3A_18 = arith.constant 0 : index
    %get3A_19 = vector.load %arg3[%get3A_17, %get3A_18] : memref<128x128xf32, #tpu.memory_space<vmem>>, vector<128x128xf32>
    %dot_general3A = arith.constant dense<0.000000e+00> : vector<1024x128xf32>
    %dot_general3A_20 = tpu.matmul %mul3A_16, %get3A_19, %dot_general3A {dimension_numbers = #tpu.dot_dimension_numbers<[1], [0], [0], [1], [0, 0, 1, 1], [], []>, transpose_lhs_hint = false} : vector<1024x128xf32>, vector<128x128xf32>, vector<1024x128xf32> -> vector<1024x128xf32>
    %get3A_21 = arith.constant 0 : index
    %get3A_22 = arith.constant 0 : index
    %get3A_23 = vector.load %arg4[%get3A_21, %get3A_22] : memref<1x128xf32, #tpu.memory_space<vmem>>, vector<1x128xf32>
    %add3A_24 = vector.broadcast %get3A_23 : vector<1x128xf32> to vector<1024x128xf32>
    %add3A_25 = arith.addf %dot_general3A_20, %add3A_24 : vector<1024x128xf32>
    %max3A_26 = arith.constant 0.000000e+00 : f32
    %max3A_27 = vector.broadcast %max3A_26 : f32 to vector<1024x128xf32>
    %max3A_28 = arith.maximumf %add3A_25, %max3A_27 : vector<1024x128xf32>
    %swap3A = arith.constant 0 : index
    %swap3A_29 = arith.constant 0 : index
    %swap3A_30 = vector.load %arg5[%swap3A, %swap3A_29] : memref<1024x128xf32, #tpu.memory_space<vmem>>, vector<1024x128xf32>
    tpu.vector_store %arg5[%swap3A, %swap3A_29], %max3A_28 {strides = array<i32>} : memref<1024x128xf32, #tpu.memory_space<vmem>>, vector<1024x128xf32>,
    return
  }
  func.func @transform_0(%arg0: i32) -> (i32, i32, i32) {
    %c0_i32 = arith.constant 0 : i32
    %c0_i32_0 = arith.constant 0 : i32
    %c0_i32_1 = arith.constant 0 : i32
    return %c0_i32, %arg0, %c0_i32_0 : i32, i32, i32
  }
  func.func @transform_1(%arg0: i32) -> (i32, i32, i32) {
    %c0_i32 = arith.constant 0 : i32
    %c0_i32_0 = arith.constant 0 : i32
    %c0_i32_1 = arith.constant 0 : i32
    return %c0_i32, %arg0, %c0_i32_0 : i32, i32, i32
  }
  func.func @transform_2(%arg0: i32) -> (i32, i32) {
    %c0_i32 = arith.constant 0 : i32
    %c0_i32_0 = arith.constant 0 : i32
    %c0_i32_1 = arith.constant 0 : i32
    return %c0_i32, %c0_i32_0 : i32, i32
  }
  func.func @transform_3(%arg0: i32) -> (i32, i32) {
    %c0_i32 = arith.constant 0 : i32
    %c0_i32_0 = arith.constant 0 : i32
    %c0_i32_1 = arith.constant 0 : i32
    return %c0_i32, %c0_i32_0 : i32, i32
  }
  func.func @transform_4(%arg0: i32) -> (i32, i32) {
    %c0_i32 = arith.constant 0 : i32
    %c0_i32_0 = arith.constant 0 : i32
    return %arg0, %c0_i32 : i32, i32
  }
}

</mosaic_0001>

<sc_bundles>
// kernel: kernel.11.cloned.1.call-start
scs
__scs_entry_jumppad:
0x0: {  	(pc) =	sbr.rel $0x88, $3  }
0x1: {  	(tag) =	ssettag $0x0;
	lr =	simm.s32 $0x1  }
0x2: {  	[smem:$0x3F9B] =	sst lr;
	_ =	strace $0xD0000000  }
0x3: {  	_ = 	snop  }
0x4: {  	_ = 	snop  }
0x5: {  	_ = 	snop  }
0x6: {  	_ = 	snop  }
0x7: {  	_ = 	snop  }
__scs_overlays_trampoline_lowered:
0x8: {  	[smem:$0x3FAA] =	sst s0  }
0x9: {  	[smem:$0x3FAB] =	sst s1  }
0xa: {  	[smem:$0x3FAC] =	sst s2  }
0xb: {  	[smem:$0x3FAD] =	sst s3  }
0xc: {  	[smem:$0x3FAE] =	sst s4  }
0xd: {  	[smem:$0x3FAF] =	sst s5  }
0xe: {  	[smem:$0x3FB0] =	sst s6  }
0xf: {  	[smem:$0x3FB1] =	sst s7  }
0x10: {  	[smem:$0x3FB2] =	sst s8  }
0x11: {  	[smem:$0x3FB3] =	sst s9;
	s0 =	simm.s32 @!p0 $0x0  }
0x12: {  	s1 =	sld [smem:$0x3F99];
	s0 =	simm.s32 @p0 $0x1  }
0x13: {  	[smem:$0x3FB4] =	sst s0;
	s0 =	simm.s32 @!p1 $0x0  }
0x14: {  	s2 =	sld [smem:$0x3F98];
	s0 =	simm.s32 @p1 $0x1  }
0x15: {  	[smem:$0x3FB5] =	sst s0;
	s0 =	simm.s32 @!p2 $0x0  }
0x16: {  	s3 =	sld [smem:$0x3FDB];
	s0 =	simm.s32 @p2 $0x1  }
0x17: {  	s4 =	simm.s32 $0x1BF5;
	[smem:$0x3FB7] =	sst s0  }
0x18: {  	s0 =	sld [smem:$0x3F9A];
	_ =	swait.ge [sflag:s4], $0x0  }
0x19: {  	s7 =	sld [smem:$0x3F9B]  }
0x1a: {  	s8 =	sadd.s32 $0xFFFFE003, lr  }
0x1b: {  	s9 =	sadd.s32 $0xFFFFFEF7, lr;
	s5 =	simm.s32 $0xFFFFFFFF;
	p2 =	slt.u32 s8, $0xFFFFF086  }
0x1c: {  	p1 =	slt.u32 s9, $0xF7A;
	s5 =	simm.s32 @!p2 $0x0  }
0x1d: {  	s5 =	simm.s32 @p1 $0x1;
	p0 =	seq.s32 s7, s2  }
0x1e: {  	s7 =	smul.u32 @!p0 $0xF7A, s2;
	p2 =	seq.s32 @!p0 s5, $0x0  }
0x1f: {  	s9 =	smul.u32 $0xF7A, s1;
	s8 =	simm.s32 @!p0 $0x1BF5;
	p2 =	por !p2, p0  }
0x20: {  	[sflag:s8] =	ssyncset.s32 @!p0 $0xFFFFF086;
	s6 =	sadd.s32 @!p0 s3, s7;
	s7 =	simm.s32 @!p0 $0x108  }
0x21: {  	s3 =	sadd.s32 s3, s9;
	s6 =	sadd.s32 @!p0 $0x88, s6;
	s7 =	simm.s32 @p2 $0x1082  }
0x22: {  	[simem:s7], [sflag:s8] =	dma.local @!p0 [hbm:s6], $0xF7A  }
0x23: {  	s9 =	sor.u32 $0xD0000000, s2;
	s6 =	simm.s32 $0x108;
	_ =	swait.ge @!p0 [sflag:s8], $0x0  }
0x24: {  	s3 =	sadd.s32 $0x88, s3;
	s6 =	simm.s32 @!p1 $0x1082;
	[sflag:s4] =	ssyncset.s32 $0xFFFFF086  }
0x25: {  	[simem:s6], [sflag:s4] =	dma.local [hbm:s3], $0xF7A  }
0x26: {  	[smem:$0x3F9B] =	sst s1;
	(tag) =	ssettag s2;
	_ =	strace s9  }
0x27: {  	s1 =	sld [smem:$0x3FAB]  }
0x28: {  	s2 =	sld [smem:$0x3FAC]  }
0x29: {  	s4 =	sld [smem:$0x3FAE]  }
0x2a: {  	p0 =	seq.s32 s5, $0x0;
	s5 =	sld [smem:$0x3FAF]  }
0x2b: {  	s6 =	sld [smem:$0x3FB0]  }
0x2c: {  	s7 =	sld [smem:$0x3FB1]  }
0x2d: {  	s3 =	simm.s32 $0x108;
	s8 =	sld [smem:$0x3FB2]  }
0x2e: {  	s3 =	simm.s32 @!p0 $0x1082;
	s9 =	sld [smem:$0x3FB3]  }
0x2f: {  	lr =	sadd.s32 s0, s3;
	s0 =	sld [smem:$0x3FAA]  }
0x30: {  	s3 =	sld [smem:$0x3FAD]  }
0x31: {  	[smem:$0x3FB6] =	sst s10  }
0x32: {  	s10 =	sld [smem:$0x3FB4];
	_ =	sdelay $0x3  }
0x33: {  	p0 =	seq.s32 s10, $0x1;
	s10 =	sld [smem:$0x3FB6];
	_ =	sdelay $0x3  }
0x34: {  	[smem:$0x3FB6] =	sst s10  }
0x35: {  	s10 =	sld [smem:$0x3FB5];
	_ =	sdelay $0x3  }
0x36: {  	p1 =	seq.s32 s10, $0x1;
	s10 =	sld [smem:$0x3FB6];
	_ =	sdelay $0x3  }
0x37: {  	[smem:$0x3FB6] =	sst s10  }
0x38: {  	s10 =	sld [smem:$0x3FB7]  }
0x39: {  	_ = 	snop;
	(pc) =	sbr.ind lr, $3  }
0x3a: {  	_ = 	snop  }
0x3b: {  	_ = 	snop  }
0x3c: {  	p2 =	seq.s32 s10, $0x1;
	s10 =	sld [smem:$0x3FB6]  }
0x3d: {  	_ =	shalt  }
0x3e: {  	_ =	shalt  }
0x3f: {  	_ =	shalt  }
0x40: {  	_ =	shalt  }
0x41: {  	_ =	shalt  }
0x42: {  	_ =	shalt  }
0x43: {  	_ =	shalt  }
0x44: {  	_ =	shalt  }
0x45: {  	_ =	shalt  }
0x46: {  	_ =	shalt  }
0x47: {  	_ =	shalt  }
0x48: {  	_ =	shalt  }
0x49: {  	_ =	shalt  }
0x4a: {  	_ =	shalt  }
0x4b: {  	_ =	shalt  }
0x4c: {  	_ =	shalt  }
0x4d: {  	_ =	shalt  }
0x4e: {  	_ =	shalt  }
0x4f: {  	_ =	shalt  }
0x50: {  	_ =	shalt  }
0x51: {  	_ =	shalt  }
0x52: {  	_ =	shalt  }
0x53: {  	_ =	shalt  }
0x54: {  	_ =	shalt  }
0x55: {  	_ =	shalt  }
0x56: {  	_ =	shalt  }
0x57: {  	_ =	shalt  }
0x58: {  	_ =	shalt  }
0x59: {  	_ =	shalt  }
0x5a: {  	_ =	shalt  }
0x5b: {  	_ =	shalt  }
0x5c: {  	_ =	shalt  }
0x5d: {  	_ =	shalt  }
0x5e: {  	_ =	shalt  }
0x5f: {  	_ =	shalt  }
0x60: {  	_ =	shalt  }
0x61: {  	_ =	shalt  }
0x62: {  	_ =	shalt  }
0x63: {  	_ =	shalt  }
0x64: {  	_ =	shalt  }
0x65: {  	_ =	shalt  }
0x66: {  	_ =	shalt  }
0x67: {  	_ =	shalt  }
0x68: {  	_ =	shalt  }
0x69: {  	_ =	shalt  }
0x6a: {  	_ =	shalt  }
0x6b: {  	_ =	shalt  }
0x6c: {  	_ =	shalt  }
0x6d: {  	_ =	shalt  }
0x6e: {  	_ =	shalt  }
0x6f: {  	_ =	shalt  }
0x70: {  	_ =	shalt  }
0x71: {  	_ =	shalt  }
0x72: {  	_ =	shalt  }
0x73: {  	_ =	shalt  }
0x74: {  	_ =	shalt  }
0x75: {  	_ =	shalt  }
0x76: {  	_ =	shalt  }
0x77: {  	_ =	shalt  }
0x78: {  	_ =	shalt  }
0x79: {  	_ =	shalt  }
0x7a: {  	_ =	shalt  }
0x7b: {  	_ =	shalt  }
0x7c: {  	_ =	shalt  }
0x7d: {  	_ =	shalt  }
0x7e: {  	_ =	shalt  }
0x7f: {  	_ =	shalt  }
0x80: {  	_ =	shalt  }
0x81: {  	_ =	shalt  }
0x82: {  	_ =	shalt  }
0x83: {  	_ =	shalt  }
0x84: {  	_ =	shalt  }
0x85: {  	_ =	shalt  }
0x86: {  	_ =	shalt  }
0x87: {  	_ =	shalt  }
.Lfunc_end0:
.L_simem_size_0:
called_computation.1_lowered:
.L_overlay_start_0:
0x88: {  	s2 =	sld [smem:$0x3FD9]  }
0x89: {  	s3 =	sld [smem:$0x3FFE];
	_ =	sdelay $0x1  }
0x8a: {  	s1 =	srdreg.scid  }
0x8b: {  	s0 =	sand.u32 $0x1, s1  }
0x8c: {  	s16 =	sshll.u32 s0, $0xA;
	s2 =	sadd.s32 s3, s2  }
0x8d: {  	s2 =	sadd.s32 s2, s16  }
0x8e: {  	[smem:$0x3FC2] =	sst s2  }
0x8f: {  	_ = 	snop  }
0x90: {  	(tm) =	ssettm $0x1  }
0x91: {  	s17 =	sld [smem:$0x3FFB];
	_ =	sdelay $0x3  }
0x92: {  	_ =	strace s17  }
0x93: {  	s2 =	sld [smem:$0x3FFC];
	_ =	sdelay $0x3  }
0x94: {  	_ =	strace s2  }
0x95: {  	s2 =	sld [smem:$0x3FFD];
	_ =	sdelay $0x3  }
0x96: {  	_ =	strace s2  }
0x97: {  	_ =	strace $0x8FFFFFFF  }
0x98: {  	s18 =	sld [smem:$0x3FDB];
	_ =	sdelay $0x1  }
0x99: {  	s19 =	simm.s32 $_scs_section_size  }
0x9a: {  	s4 =	simm.s32 $_size__tile_overlayer_lowered;
	s5 =	simm.s32 $_tile_overlayer_lowered  }
0x9b: {  	s22 =	simm.s32 $0x1BFF;
	s21 =	sshll.u32 s5, $0x1;
	s2 =	sadd.s32 s19, s18  }
0x9c: {  	s6 =	simm.s32 $0x0;
	s20 =	sshll.u32 s4, $0x1;
	s4 =	sadd.s32 s21, s2  }
0x9d: {  	[timem:s6], [sflag:s22] =	dma.local [hbm:s4], s20  }
0x9e: {  	_ =	swait.ge [sflag:s22], s20  }
0x9f: {  	s3 =	ssub.s32 $0x0, s20;
	[sflag:s22] =	ssyncset.done $0x0  }
0xa0: {  	[sflag:s22] =	ssyncadd.s32 s3;
	_ =	sdelay $0x1  }
0xa1: {  	s23 =	simm.s32 $0x1B8B  }
0xa2: {  	_ =	swait.ge [sflag:s23], $0x1  }
0xa3: {  	[sflag:s23] =	ssyncset.done $0x0  }
0xa4: {  	s25 =	simm.s32 $0x1B8E;
	s24 =	sld [smem:$0x3FFE];
	[sflag:s23] =	ssyncadd.s32 $0xFFFFFFFF  }
0xa5: {  	s26 =	simm.s32 $execute0_lowered;
	[smem:$0x3FD2] =	sst s25  }
0xa6: {  	s4 =	sshll.u32 s26, $0x1;
	_ =	strace $0x80000049;
	[dreg:$0x1] =	wrdreg $0xFFFFFFFF  }
0xa7: {  	s28 =	simm.s32 $_size_execute0_lowered;
	s2 =	sadd.s32 s2, s4;
	[dreg:$0x0] =	wrdreg $0x0  }
0xa8: {  	s4 =	sshll.u32 s28, $0x1;
	[dreg:$0x2] =	wrdreg s2  }
0xa9: {  	[dreg:$0x3] =	wrdreg s4  }
0xaa: {  	[dreg:$0x4] =	wrdreg $0xC0  }
0xab: {  	_ =	task [dreg:s6], $0x5FFFF  }
0xac: {  	[dreg:$0x1] =	wrdreg $0xFFFFFFFF  }
0xad: {  	[dreg:$0x0] =	wrdreg $0x60  }
0xae: {  	[dreg:$0x2] =	wrdreg s24  }
0xaf: {  	[dreg:$0x3] =	wrdreg $0xBB800  }
0xb0: {  	[dreg:$0x4] =	wrdreg $0x9  }
0xb1: {  	_ =	task.clear_ibuf [dreg:s6], $0x5FFFF;
	_ =	strace $0x90000049  }
0xb2: {  	s29 =	simm.s32 $0x9;
	_ =	strace $0x8000004B  }
0xb3: {  	_ =	swait.ge [sflag:s29], $0x1  }
0xb4: {  	[sflag:s29] =	ssyncadd.s32 $0xFFFFFFFF  }
0xb5: {  	_ =	strace $0x9000004B  }
0xb6: {  	_ =	sfence  }
0xb7: {  	s30 =	sld [smem:$0x0];
	_ =	sdelay $0x2  }
0xb8: {  	s31 =	sshll.u32 s1, $0xD;
	s1 =	sshrl.u32 s1, $0x2  }
0xb9: {  	s3 =	sand.u32 $0x4000, s31;
	s1 =	sadd.s32 s1, s30  }
0xba: {  	s0 =	sor.u32 s3, s0;
	s1 =	sshll.u32 s1, $0x11  }
0xbb: {  	s0 =	sor.u32 s1, s0  }
0xbc: {  	s0 =	sadd.s32 $0x8F2B, s0  }
0xbd: {  	[sflag:s0] =	ssyncadd.remote.s32 $0x1  }
0xbe: {  	_ =	sfence.sel $0xFFFF  }
0xbf: {  	[dreg:$0x0] =	wrdreg $0xFFFFFFFF;
	(pc) =	sbr.abs _section_cstart, $3  }
0xc0: {  	[dreg:$0x1] =	wrdreg $0xFFFFFFFF  }
0xc1: {  	_ =	task.clear_ibuf [dreg:s6], $0x2FFFF;
	_ =	strace $0x9FFFFFFF  }
0xc2: {  	(tm) =	ssettm $0x7FFFFFFF  }
0xc3: {  	_ =	shalt  }
tec
execute0_lowered:
.L_overlay_start_1:
0x0: {  	(tag) =	ssettag $0x1  }
0x1: {  	s0 =	rddreg [dreg:$0x0]  }
0x2: {  	s2 =	rddreg [dreg:$0x1];
	s3 =	simm.s32 $0x0;
	s14 =	stileid.u32  }
0x3: {  	s1 =	srdreg.scid;
	s28 =	simm.s32 $0x6B80;
	s29 =	simm.s32 $0x3  }
0x4: {  	s30 =	simm.s32 $0x50;
	s31 =	simm.s32 $0x9380;
	s5 =	smul.u32 $0x6B8, s14  }
0x5: {  	[smem:$0x7FF] =	sst s3;
	s1 =	sand.u32 $0x1, s1;
	s6 =	smul.u32 $0x30C, s14  }
0x6: {  	s4 =	sadd.s32 $0x6B400, s0;
	s17 =	smul.u32 $0x14000, s14;
	_ =	strace $0x8000004A  }
0x7: {  	s7 =	ssub.s32 $0x2, s1;
	s10 =	smul.u32 $0x140000, s1;
	p0 =	sne.s32 s1, $0x0  }
0x8: {  	p1 =	seq.s32 s1, $0x0;
	s1 =	simm.s32 $0x2;
	s5 =	sadd.s32 s5, s0  }
0x9: {  	s8 =	sshrl.u32 s7, $0x1;
	s6 =	sadd.s32 s6, s0;
	s0 =	sadd.s32 $0x93400, s0  }
0xa: {  	s20 =	sor.u32 $0x2800, s17;
	s21 =	sadd.s32 $0x5000, s17;
	s22 =	sadd.s32 $0x7800, s17  }
0xb: {  	s23 =	sadd.s32 $0xA000, s17;
	s24 =	sadd.s32 $0xC800, s17;
	s25 =	sadd.s32 $0xF000, s17  }
0xc: {  	s26 =	sadd.s32 $0x11800, s17;
	s7 =	ssub.s32 s7, s8;
	s15 =	sadd.s32 s10, s17  }
0xd: {  	s9 =	sadd.s32 s10, s20;
	s18 =	sadd.s32 s10, s21;
	s19 =	sadd.s32 s10, s22  }
0xe: {  	s11 =	sadd.s32 s10, s23;
	s17 =	sadd.s32 s17, s2;
	s20 =	sadd.s32 s20, s2  }
0xf: {  	s21 =	sadd.s32 s21, s2;
	s22 =	sadd.s32 s22, s2;
	s23 =	sadd.s32 s23, s2  }
0x10: {  	s8 =	sshrl.u32 s15, $0x3;
	s9 =	sshrl.u32 s9, $0x3;
	s12 =	sshrl.u32 s11, $0x3  }
0x11: {  	s15 =	sadd.s32 s10, s24;
	s24 =	sadd.s32 s24, s2;
	s8 =	sadd.s32 s0, s8  }
0x12: {  	s16 =	sadd.s32 s0, s9;
	s9 =	sshrl.u32 s19, $0x3;
	s13 =	sadd.s32 s0, s12  }
0x13: {  	s11 =	sshrl.u32 s15, $0x3;
	s12 =	sadd.s32 s10, s25;
	s19 =	smul.u32 $0x50000, s14  }
0x14: {  	s14 =	sadd.s32 $0xAA00, s6;
	s15 =	sadd.s32 $0x14800, s5;
	[dreg:$0x3] =	wrdreg s8  }
0x15: {  	s25 =	sadd.s32 s25, s2;
	[dreg:$0x4] =	wrdreg s16;
	s8 =	sshrl.u32 s18, $0x3  }
0x16: {  	[dreg:$0x7] =	wrdreg s13;
	s13 =	sadd.s32 s10, s26;
	s10 =	sadd.s32 s0, s11  }
0x17: {  	s16 =	sshrl.u32 s12, $0x3;
	s26 =	sadd.s32 s26, s2;
	s8 =	sadd.s32 s0, s8  }
.Ltmp0:
0x18: {  	s18 =	sshrl.u32 s13, $0x3;
	s11 =	sadd.s32 s0, s16;
	(pc) =	sbr.rel .LBB2_1-.Ltmp0, $4  }
0x19: {  	s13 =	sadd.s32 $0x7800, s6;
	s16 =	sadd.s32 $0xDC00, s5;
	[dreg:$0x8] =	wrdreg s26  }
0x1a: {  	s5 =	simm.s32 $0x0;
	[dreg:$0x5] =	wrdreg s8;
	s8 =	sadd.s32 s0, s9  }
0x1b: {  	s12 =	sadd.s32 s0, s18;
	s18 =	smax.u32 s7, $0x1;
	s0 =	sshrl.u32 s19, $0x2  }
0x1c: {  	v0 =	vimm.f32 $0.0e+00;
	[dreg:$0x6] =	wrdreg s8;
	s19 =	sadd.s32 s0, s2;
	s0 =	simm.s32 $0x1  }
.LBB2_9:
0x1d: {  	s6 =	sshra.s32 s6, $0x2;
	[sflag:s29] =	ssyncadd.s32 $0xFFFFD800  }
0x1e: {  	[tilespmem:s28], [sflag:$0x1] =	stream.indirect.gather [hbm4b:s4+s30], $0x80, s6, s30, $0xb8;
	[tilespmem:$0x1FB80] =	vst v63  }
0x1f: {  	_ =	swait.ge [sflag:s0], $0x2800  }
0x20: {  	[sflag:s0] =	ssyncset.done $0x0  }
0x21: {  	s6 =	sadd.s32 $0x35C0, s6;
	[sflag:s0] =	ssyncadd.s32 $0xFFFFD800  }
0x22: {  	[spmem:s2] =	stream.indirect.scatter.add.f32 [tilespmem:s28], [sflag:$0x3], $0x80, s6, s30, $0xb8;
	[tilespmem:$0x1FB80] =	vst v63  }
0x23: {  	_ =	swait.ge [sflag:s29], $0x2800  }
0x24: {  	[sflag:s29] =	ssyncset.done $0x0  }
0x25: {  	[sflag:s29] =	ssyncadd.s32 $0xFFFFD800  }
.LBB2_10:
0x26: {  	[bflag:$0x0] =	sbarrier.arrive $0xFFFF  }
0x27: {  	[tilespmem:s28], [sflag:$0x3] =	stream.linear.gather [spmem:s17], $0x2800, $0x38;
	[tilespmem:$0x1FB80] =	vst v63  }
0x28: {  	_ =	swait.ge [sflag:s29], $0x2800  }
0x29: {  	[sflag:s29] =	ssyncset.done $0x0  }
0x2a: {  	s6 =	rddreg [dreg:$0x3];
	[sflag:s29] =	ssyncadd.s32 $0xFFFFD800  }
0x2b: {  	[hbm4b:s6+s3] =	stream.linear.scatter [tilespmem:s28], [sflag:$0x3], $0x2800, $0x38;
	[tilespmem:$0x1FB80] =	vst v63  }
0x2c: {  	_ =	swait.ge [sflag:s29], $0x2800  }
0x2d: {  	[sflag:s29] =	ssyncset.done $0x0  }
0x2e: {  	[sflag:s29] =	ssyncadd.s32 $0xFFFFD800  }
0x2f: {  	[tilespmem:s28], [sflag:$0x3] =	stream.linear.gather [spmem:s20], $0x2800, $0x38;
	[tilespmem:$0x1FB80] =	vst v63  }
0x30: {  	_ =	swait.ge [sflag:s29], $0x2800  }
0x31: {  	[sflag:s29] =	ssyncset.done $0x0  }
0x32: {  	s9 =	rddreg [dreg:$0x4];
	[sflag:s29] =	ssyncadd.s32 $0xFFFFD800  }
0x33: {  	[hbm4b:s9+s3] =	stream.linear.scatter [tilespmem:s28], [sflag:$0x3], $0x2800, $0x38;
	[tilespmem:$0x1FB80] =	vst v63  }
0x34: {  	_ =	swait.ge [sflag:s29], $0x2800  }
0x35: {  	[sflag:s29] =	ssyncset.done $0x0  }
0x36: {  	[sflag:s29] =	ssyncadd.s32 $0xFFFFD800  }
0x37: {  	[tilespmem:s28], [sflag:$0x3] =	stream.linear.gather [spmem:s21], $0x2800, $0x38;
	[tilespmem:$0x1FB80] =	vst v63  }
0x38: {  	_ =	swait.ge [sflag:s29], $0x2800  }
0x39: {  	[sflag:s29] =	ssyncset.done $0x0  }
0x3a: {  	s7 =	rddreg [dreg:$0x5];
	[sflag:s29] =	ssyncadd.s32 $0xFFFFD800  }
0x3b: {  	[hbm4b:s7+s3] =	stream.linear.scatter [tilespmem:s28], [sflag:$0x3], $0x2800, $0x38;
	[tilespmem:$0x1FB80] =	vst v63  }
0x3c: {  	_ =	swait.ge [sflag:s29], $0x2800  }
0x3d: {  	[sflag:s29] =	ssyncset.done $0x0  }
0x3e: {  	[sflag:s29] =	ssyncadd.s32 $0xFFFFD800  }
0x3f: {  	[tilespmem:s28], [sflag:$0x3] =	stream.linear.gather [spmem:s22], $0x2800, $0x38;
	[tilespmem:$0x1FB80] =	vst v63  }
0x40: {  	_ =	swait.ge [sflag:s29], $0x2800  }
0x41: {  	[sflag:s29] =	ssyncset.done $0x0  }
0x42: {  	s8 =	rddreg [dreg:$0x6];
	[sflag:s29] =	ssyncadd.s32 $0xFFFFD800  }
0x43: {  	[hbm4b:s8+s3] =	stream.linear.scatter [tilespmem:s28], [sflag:$0x3], $0x2800, $0x38;
	[tilespmem:$0x1FB80] =	vst v63  }
0x44: {  	_ =	swait.ge [sflag:s29], $0x2800  }
0x45: {  	[sflag:s29] =	ssyncset.done $0x0  }
0x46: {  	[sflag:s29] =	ssyncadd.s32 $0xFFFFD800  }
0x47: {  	[tilespmem:s28], [sflag:$0x3] =	stream.linear.gather [spmem:s23], $0x2800, $0x38;
	[tilespmem:$0x1FB80] =	vst v63  }
0x48: {  	_ =	swait.ge [sflag:s29], $0x2800  }
0x49: {  	[sflag:s29] =	ssyncset.done $0x0  }
0x4a: {  	s9 =	rddreg [dreg:$0x7];
	[sflag:s29] =	ssyncadd.s32 $0xFFFFD800  }
0x4b: {  	[hbm4b:s9+s3] =	stream.linear.scatter [tilespmem:s28], [sflag:$0x3], $0x2800, $0x38;
	[tilespmem:$0x1FB80] =	vst v63  }
0x4c: {  	_ =	swait.ge [sflag:s29], $0x2800  }
0x4d: {  	[sflag:s29] =	ssyncset.done $0x0  }
0x4e: {  	[sflag:s29] =	ssyncadd.s32 $0xFFFFD800  }
0x4f: {  	[tilespmem:s28], [sflag:$0x3] =	stream.linear.gather [spmem:s24], $0x2800, $0x38;
	[tilespmem:$0x1FB80] =	vst v63  }
0x50: {  	_ =	swait.ge [sflag:s29], $0x2800  }
0x51: {  	[sflag:s29] =	ssyncset.done $0x0  }
0x52: {  	[sflag:s29] =	ssyncadd.s32 $0xFFFFD800  }
0x53: {  	[hbm4b:s10+s3] =	stream.linear.scatter [tilespmem:s28], [sflag:$0x3], $0x2800, $0x38;
	[tilespmem:$0x1FB80] =	vst v63  }
0x54: {  	_ =	swait.ge [sflag:s29], $0x2800  }
0x55: {  	[sflag:s29] =	ssyncset.done $0x0  }
0x56: {  	[sflag:s29] =	ssyncadd.s32 $0xFFFFD800  }
0x57: {  	[tilespmem:s28], [sflag:$0x3] =	stream.linear.gather [spmem:s25], $0x2800, $0x38;
	[tilespmem:$0x1FB80] =	vst v63  }
0x58: {  	_ =	swait.ge [sflag:s29], $0x2800  }
0x59: {  	[sflag:s29] =	ssyncset.done $0x0  }
0x5a: {  	[sflag:s29] =	ssyncadd.s32 $0xFFFFD800  }
0x5b: {  	[hbm4b:s11+s3] =	stream.linear.scatter [tilespmem:s28], [sflag:$0x3], $0x2800, $0x38;
	[tilespmem:$0x1FB80] =	vst v63  }
0x5c: {  	_ =	swait.ge [sflag:s29], $0x2800  }
0x5d: {  	[sflag:s29] =	ssyncset.done $0x0  }
0x5e: {  	[sflag:s29] =	ssyncadd.s32 $0xFFFFD800  }
0x5f: {  	[tilespmem:s28], [sflag:$0x3] =	stream.linear.gather [spmem:s26], $0x2800, $0x38;
	[tilespmem:$0x1FB80] =	vst v63  }
0x60: {  	s5 =	sadd.s32 $0x1, s5;
	_ =	swait.ge [sflag:s29], $0x2800  }
0x61: {  	p2 =	sne.s32 s5, s18;
	[sflag:s29] =	ssyncset.done $0x0  }
.Ltmp1:
0x62: {  	[sflag:s29] =	ssyncadd.s32 $0xFFFFD800;
	(pc) =	sbr.rel @!p2 .LBB2_11-.Ltmp1, $4  }
0x63: {  	[hbm4b:s12+s3] =	stream.linear.scatter [tilespmem:s28], [sflag:$0x3], $0x2800, $0x38;
	[tilespmem:$0x1FB80] =	vst v63  }
0x64: {  	_ =	swait.ge [sflag:s29], $0x2800  }
0x65: {  	[sflag:s29] =	ssyncset.done $0x0  }
0x66: {  	[sflag:s29] =	ssyncadd.s32 $0xFFFFD800  }
.LBB2_1:
0x67: {  	s6 =	simm.s32 @p0 $0x0;
	s7 =	simm.s32 @p0 $0x3  }
0x68: {  	[tilespmem:s6], [sflag:$0x3] =	stream.linear.gather @p0 [hbm4b:s13+s6], $0x1860, $0x38;
	[tilespmem:$0x1FB80] =	vst v63  }
0x69: {  	_ =	swait.ge @p0 [sflag:s7], $0x1860  }
0x6a: {  	[sflag:s7] =	ssyncset.done @p0 $0x0  }
0x6b: {  	s8 =	simm.s32 @p0 $0x35C0;
	[sflag:s7] =	ssyncadd.s32 @p0 $0xFFFFE7A0  }
0x6c: {  	[tilespmem:s8], [sflag:$0x3] =	stream.linear.gather @p0 [hbm4b:s14+s6], $0x1860, $0x38;
	[tilespmem:$0x1FB80] =	vst v63  }
0x6d: {  	_ =	swait.ge @p0 [sflag:s7], $0x1860  }
0x6e: {  	[sflag:s7] =	ssyncset.done @p0 $0x0  }
0x6f: {  	s6 =	simm.s32 @!p0 $0x0;
	[sflag:s7] =	ssyncadd.s32 @p0 $0xFFFFE7A0;
	s7 =	simm.s32 @!p0 $0x3  }
0x70: {  	[tilespmem:s6], [sflag:$0x3] =	stream.linear.gather @!p0 [hbm4b:s15+s6], $0x35C0, $0x38;
	[tilespmem:$0x1FB80] =	vst v63  }
0x71: {  	_ =	swait.ge @!p0 [sflag:s7], $0x35C0  }
0x72: {  	[sflag:s7] =	ssyncset.done @!p0 $0x0  }
0x73: {  	s8 =	simm.s32 @!p0 $0x35C0;
	[sflag:s7] =	ssyncadd.s32 @!p0 $0xFFFFCA40  }
0x74: {  	[tilespmem:s8], [sflag:$0x3] =	stream.linear.gather @!p0 [hbm4b:s16+s6], $0x35C0, $0x38;
	[tilespmem:$0x1FB80] =	vst v63  }
0x75: {  	_ =	swait.ge @!p0 [sflag:s7], $0x35C0  }
0x76: {  	s6 =	simm.s32 @!p0 $0x1C0;
	[sflag:s7] =	ssyncset.done @!p0 $0x0  }
0x77: {  	s6 =	simm.s32 @p0 $0x1C0;
	[sflag:s7] =	ssyncadd.s32 @!p0 $0xFFFFCA40  }
.LBB2_2:
0x78: {  	s7 =	sshra.s32 s6, $0x2  }
0x79: {  	[tilespmem:s7+$0x6B10] =	vst v0  }
0x7a: {  	[tilespmem:s7+$0x6B20] =	vst v0  }
0x7b: {  	p2 =	seq.s32 s6, $0x9FC0;
	[tilespmem:s7+$0x6B30] =	vst v0  }
.Ltmp2:
0x7c: {  	[tilespmem:s7+$0x6B40] =	vst v0;
	(pc) =	sbr.rel @!p2 .LBB2_2-.Ltmp2, $4  }
0x7d: {  	[tilespmem:s7+$0x6B50] =	vst v0  }
0x7e: {  	[tilespmem:s7+$0x6B60] =	vst v0  }
0x7f: {  	[tilespmem:s7+$0x6B70] =	vst v0  }
0x80: {  	s6 =	sadd.s32 $0x200, s6;
	[tilespmem:s7+$0x6B80] =	vst v0  }
0x81: {  	[spmem:s19] =	stream.linear.scatter [tilespmem:s28], [sflag:$0x3], $0x2800, $0x38;
	[tilespmem:$0x1FB80] =	vst v63  }
0x82: {  	_ =	swait.ge [sflag:s29], $0x2800  }
0x83: {  	[sflag:s29] =	ssyncset.done $0x0  }
0x84: {  	[sflag:s29] =	ssyncadd.s32 $0xFFFFD800  }
0x85: {  	[spmem:s20] =	stream.linear.scatter [tilespmem:s28], [sflag:$0x3], $0x2800, $0x38;
	[tilespmem:$0x1FB80] =	vst v63  }
0x86: {  	_ =	swait.ge [sflag:s29], $0x2800  }
0x87: {  	[sflag:s29] =	ssyncset.done $0x0  }
0x88: {  	[sflag:s29] =	ssyncadd.s32 $0xFFFFD800  }
0x89: {  	[spmem:s21] =	stream.linear.scatter [tilespmem:s28], [sflag:$0x3], $0x2800, $0x38;
	[tilespmem:$0x1FB80] =	vst v63  }
0x8a: {  	_ =	swait.ge [sflag:s29], $0x2800  }
0x8b: {  	[sflag:s29] =	ssyncset.done $0x0  }
0x8c: {  	[sflag:s29] =	ssyncadd.s32 $0xFFFFD800  }
0x8d: {  	[spmem:s22] =	stream.linear.scatter [tilespmem:s28], [sflag:$0x3], $0x2800, $0x38;
	[tilespmem:$0x1FB80] =	vst v63  }
0x8e: {  	_ =	swait.ge [sflag:s29], $0x2800  }
0x8f: {  	[sflag:s29] =	ssyncset.done $0x0  }
0x90: {  	[sflag:s29] =	ssyncadd.s32 $0xFFFFD800  }
0x91: {  	[spmem:s23] =	stream.linear.scatter [tilespmem:s28], [sflag:$0x3], $0x2800, $0x38;
	[tilespmem:$0x1FB80] =	vst v63  }
0x92: {  	_ =	swait.ge [sflag:s29], $0x2800  }
0x93: {  	[sflag:s29] =	ssyncset.done $0x0  }
0x94: {  	[sflag:s29] =	ssyncadd.s32 $0xFFFFD800  }
0x95: {  	[spmem:s24] =	stream.linear.scatter [tilespmem:s28], [sflag:$0x3], $0x2800, $0x38;
	[tilespmem:$0x1FB80] =	vst v63  }
0x96: {  	_ =	swait.ge [sflag:s29], $0x2800  }
0x97: {  	[sflag:s29] =	ssyncset.done $0x0  }
0x98: {  	[sflag:s29] =	ssyncadd.s32 $0xFFFFD800  }
0x99: {  	[spmem:s25] =	stream.linear.scatter [tilespmem:s28], [sflag:$0x3], $0x2800, $0x38;
	[tilespmem:$0x1FB80] =	vst v63  }
0x9a: {  	_ =	swait.ge [sflag:s29], $0x2800  }
0x9b: {  	[sflag:s29] =	ssyncset.done $0x0  }
0x9c: {  	[sflag:s29] =	ssyncadd.s32 $0xFFFFD800  }
0x9d: {  	[spmem:s26] =	stream.linear.scatter [tilespmem:s28], [sflag:$0x3], $0x2800, $0x38;
	[tilespmem:$0x1FB80] =	vst v63  }
.Ltmp3:
0x9e: {  	_ =	swait.ge [sflag:s29], $0x2800;
	(pc) =	sbr.rel @!p1 .LBB2_7-.Ltmp3, $4  }
0x9f: {  	[sflag:s29] =	ssyncset.done $0x0  }
0xa0: {  	[sflag:s29] =	ssyncadd.s32 $0xFFFFD800  }
0xa1: {  	[bflag:$0x0] =	sbarrier.arrive $0xFFFF  }
0xa2: {  	s6 =	simm.s32 $0x0  }
0xa3: {  	[tilespmem:s28], [sflag:$0x1] =	stream.indirect.gather [hbm4b:s4+s30], $0x80, s6, s30, $0xb8;
	[tilespmem:$0x1FB80] =	vst v63  }
0xa4: {  	s26 =	smov.u32 s25;
	s7 =	simm.s32 $0x50  }
0xa5: {  	[tilespmem:s31], [sflag:$0x2] =	stream.indirect.gather [hbm4b:s4+s30], $0x80, s7, s30, $0xb8;
	[tilespmem:$0x1FB80] =	vst v63  }
0xa6: {  	s25 =	smov.u32 s24;
	s24 =	smov.u32 s23;
	_ =	swait.ge [sflag:s0], $0x2800  }
0xa7: {  	s23 =	smov.u32 s22;
	s22 =	smov.u32 s21;
	[sflag:s0] =	ssyncset.done $0x0  }
0xa8: {  	s21 =	smov.u32 s20;
	s8 =	simm.s32 $0x35C0;
	[sflag:s0] =	ssyncadd.s32 $0xFFFFD800  }
0xa9: {  	[spmem:s2] =	stream.indirect.scatter.add.f32 [tilespmem:s28], [sflag:$0x3], $0x80, s8, s30, $0xb8;
	[tilespmem:$0x1FB80] =	vst v63  }
0xaa: {  	s20 =	smov.u32 s19;
	s19 =	smov.u32 s18;
	_ =	swait.ge [sflag:s29], $0x2800  }
0xab: {  	s18 =	smov.u32 s17;
	s17 =	smov.u32 s16;
	[sflag:s29] =	ssyncset.done $0x0  }
0xac: {  	s16 =	smov.u32 s15;
	s9 =	simm.s32 $0xA0;
	[sflag:s29] =	ssyncadd.s32 $0xFFFFD800  }
0xad: {  	[tilespmem:s28], [sflag:$0x1] =	stream.indirect.gather [hbm4b:s4+s30], $0x80, s9, s30, $0xb8;
	[tilespmem:$0x1FB80] =	vst v63  }
0xae: {  	s15 =	smov.u32 s14;
	s14 =	smov.u32 s13;
	_ =	swait.ge [sflag:s1], $0x2800  }
0xaf: {  	s13 =	smov.u32 s12;
	s12 =	smov.u32 s11;
	[sflag:s1] =	ssyncset.done $0x0  }
0xb0: {  	s11 =	smov.u32 s10;
	s10 =	simm.s32 $0x3610;
	[sflag:s1] =	ssyncadd.s32 $0xFFFFD800  }
0xb1: {  	[spmem:s2] =	stream.indirect.scatter.add.f32 [tilespmem:s31], [sflag:$0x3], $0x80, s10, s30, $0xb8;
	[tilespmem:$0x1FB80] =	vst v63  }
0xb2: {  	_ =	swait.ge [sflag:s29], $0x2800  }
0xb3: {  	s6 =	simm.s32 $0xA0;
	s7 =	simm.s32 $0x500;
	[sflag:s29] =	ssyncset.done $0x0  }
.LBB2_5:
0xb4: {  	s8 =	sadd.s32 $0x50, s6  }
0xb5: {  	[sflag:s29] =	ssyncadd.s32 $0xFFFFD800;
	s9 =	smov.u32 s7;
	s10 =	sadd.s32 $0x280, s7  }
0xb6: {  	[tilespmem:s31], [sflag:$0x2] =	stream.indirect.gather [hbm4b:s4+s30], $0x80, s8, s30, $0xb8;
	[tilespmem:$0x1FB80] =	vst v63  }
0xb7: {  	p2 =	seq.s32 s7, $0xD200;
	_ =	swait.ge [sflag:s0], $0x2800  }
0xb8: {  	[sflag:s0] =	ssyncset.done $0x0  }
0xb9: {  	s7 =	sadd.s32 $0x35C0, s6;
	[sflag:s0] =	ssyncadd.s32 $0xFFFFD800  }
0xba: {  	[spmem:s2] =	stream.indirect.scatter.add.f32 [tilespmem:s28], [sflag:$0x3], $0x80, s7, s30, $0xb8;
	[tilespmem:$0x1FB80] =	vst v63  }
0xbb: {  	_ =	swait.ge [sflag:s29], $0x2800  }
0xbc: {  	[sflag:s29] =	ssyncset.done $0x0  }
0xbd: {  	s7 =	sadd.s32 $0xA0, s6;
	[sflag:s29] =	ssyncadd.s32 $0xFFFFD800  }
0xbe: {  	[tilespmem:s28], [sflag:$0x1] =	stream.indirect.gather [hbm4b:s4+s30], $0x80, s7, s30, $0xb8;
	[tilespmem:$0x1FB80] =	vst v63  }
0xbf: {  	_ =	swait.ge [sflag:s1], $0x2800  }
.Ltmp4:
0xc0: {  	[sflag:s1] =	ssyncset.done $0x0;
	(pc) =	sbr.rel @!p2 .LBB2_5-.Ltmp4, $4  }
0xc1: {  	s6 =	sadd.s32 $0x3610, s6;
	[sflag:s1] =	ssyncadd.s32 $0xFFFFD800  }
0xc2: {  	[spmem:s2] =	stream.indirect.scatter.add.f32 [tilespmem:s31], [sflag:$0x3], $0x80, s6, s30, $0xb8;
	[tilespmem:$0x1FB80] =	vst v63  }
0xc3: {  	_ =	swait.ge [sflag:s29], $0x2800  }
0xc4: {  	s7 =	smov.u32 s10;
	s6 =	sshra.s32 s9, $0x2;
	[sflag:s29] =	ssyncset.done $0x0  }
0xc5: {  	s7 =	sadd.s32 $0x50, s6;
	[sflag:s29] =	ssyncadd.s32 $0xFFFFD800  }
0xc6: {  	[tilespmem:s31], [sflag:$0x2] =	stream.indirect.gather [hbm4b:s4+s30], $0x80, s7, s30, $0xb8;
	[tilespmem:$0x1FB80] =	vst v63  }
0xc7: {  	_ =	swait.ge [sflag:s0], $0x2800  }
0xc8: {  	[sflag:s0] =	ssyncset.done $0x0  }
0xc9: {  	s9 =	sadd.s32 $0x35C0, s6;
	[sflag:s0] =	ssyncadd.s32 $0xFFFFD800  }
0xca: {  	[spmem:s2] =	stream.indirect.scatter.add.f32 [tilespmem:s28], [sflag:$0x3], $0x80, s9, s30, $0xb8;
	[tilespmem:$0x1FB80] =	vst v63  }
0xcb: {  	_ =	swait.ge [sflag:s29], $0x2800  }
0xcc: {  	[sflag:s29] =	ssyncset.done $0x0  }
0xcd: {  	s10 =	sadd.s32 $0xA0, s6;
	[sflag:s29] =	ssyncadd.s32 $0xFFFFD800  }
0xce: {  	[tilespmem:s28], [sflag:$0x1] =	stream.indirect.gather [hbm4b:s4+s30], $0x80, s10, s30, $0xb8;
	[tilespmem:$0x1FB80] =	vst v63  }
0xcf: {  	_ =	swait.ge [sflag:s1], $0x2800  }
0xd0: {  	[sflag:s1] =	ssyncset.done $0x0  }
0xd1: {  	s7 =	sadd.s32 $0x3610, s6;
	[sflag:s1] =	ssyncadd.s32 $0xFFFFD800  }
0xd2: {  	[spmem:s2] =	stream.indirect.scatter.add.f32 [tilespmem:s31], [sflag:$0x3], $0x80, s7, s30, $0xb8;
	[tilespmem:$0x1FB80] =	vst v63  }
0xd3: {  	_ =	swait.ge [sflag:s29], $0x2800  }
0xd4: {  	[sflag:s29] =	ssyncset.done $0x0  }
0xd5: {  	s8 =	simm.s32 $0x3570;
	[sflag:s29] =	ssyncadd.s32 $0xFFFFD800  }
0xd6: {  	[tilespmem:s31], [sflag:$0x2] =	stream.indirect.gather [hbm4b:s4+s30], $0x80, s8, s30, $0xb8;
	[tilespmem:$0x1FB80] =	vst v63  }
0xd7: {  	_ =	swait.ge [sflag:s0], $0x2800  }
0xd8: {  	[sflag:s0] =	ssyncset.done $0x0  }
0xd9: {  	s9 =	simm.s32 $0x6AE0;
	[sflag:s0] =	ssyncadd.s32 $0xFFFFD800  }
0xda: {  	[spmem:s2] =	stream.indirect.scatter.add.f32 [tilespmem:s28], [sflag:$0x3], $0x80, s9, s30, $0xb8;
	[tilespmem:$0x1FB80] =	vst v63  }
0xdb: {  	_ =	swait.ge [sflag:s29], $0x2800  }
0xdc: {  	[sflag:s29] =	ssyncset.done $0x0  }
0xdd: {  	[sflag:s29] =	ssyncadd.s32 $0xFFFFD800  }
0xde: {  	_ =	swait.ge [sflag:s1], $0x2800  }
0xdf: {  	[sflag:s1] =	ssyncset.done $0x0  }
0xe0: {  	s10 =	simm.s32 $0x6B30;
	[sflag:s1] =	ssyncadd.s32 $0xFFFFD800  }
0xe1: {  	[spmem:s2] =	stream.indirect.scatter.add.f32 [tilespmem:s31], [sflag:$0x3], $0x80, s10, s30, $0xb8;
	[tilespmem:$0x1FB80] =	vst v63  }
0xe2: {  	s10 =	smov.u32 s11;
	s11 =	smov.u32 s12;
	s12 =	smov.u32 s13  }
0xe3: {  	s13 =	smov.u32 s14;
	s14 =	smov.u32 s15;
	s15 =	smov.u32 s16  }
.Ltmp5:
0xe4: {  	s16 =	smov.u32 s17;
	s17 =	smov.u32 s18;
	(pc) =	sbr.rel .LBB2_10-.Ltmp5, $4  }
0xe5: {  	s18 =	smov.u32 s19;
	s19 =	smov.u32 s20;
	s20 =	smov.u32 s21  }
0xe6: {  	s21 =	smov.u32 s22;
	s22 =	smov.u32 s23;
	_ =	swait.ge [sflag:s29], $0x2800  }
0xe7: {  	s23 =	smov.u32 s24;
	s24 =	smov.u32 s25;
	[sflag:s29] =	ssyncset.done $0x0  }
0xe8: {  	s25 =	smov.u32 s26;
	s26 =	rddreg [dreg:$0x8];
	[sflag:s29] =	ssyncadd.s32 $0xFFFFD800  }
.LBB2_7:
0xe9: {  	s6 =	simm.s32 $0x0  }
0xea: {  	[tilespmem:s28], [sflag:$0x1] =	stream.indirect.gather [hbm4b:s4+s30], $0x80, s6, s30, $0xb8;
	[tilespmem:$0x1FB80] =	vst v63  }
0xeb: {  	_ =	swait.ge [sflag:s0], $0x2800  }
0xec: {  	[sflag:s0] =	ssyncset.done $0x0  }
0xed: {  	s9 =	simm.s32 $0x35C0;
	[sflag:s0] =	ssyncadd.s32 $0xFFFFD800  }
0xee: {  	[spmem:s2] =	stream.indirect.scatter.add.f32 [tilespmem:s28], [sflag:$0x3], $0x80, s9, s30, $0xb8;
	[tilespmem:$0x1FB80] =	vst v63  }
0xef: {  	_ =	swait.ge [sflag:s29], $0x2800  }
0xf0: {  	s7 =	simm.s32 $0x280;
	s6 =	simm.s32 $0x140;
	[sflag:s29] =	ssyncset.done $0x0  }
.LBB2_8:
0xf1: {  	s8 =	sshra.s32 s6, $0x2  }
0xf2: {  	[sflag:s29] =	ssyncadd.s32 $0xFFFFD800;
	s6 =	smov.u32 s7;
	s9 =	sadd.s32 $0x140, s7  }
0xf3: {  	[tilespmem:s28], [sflag:$0x1] =	stream.indirect.gather [hbm4b:s4+s30], $0x80, s8, s30, $0xb8;
	[tilespmem:$0x1FB80] =	vst v63  }
0xf4: {  	p2 =	seq.s32 s7, $0x6040;
	_ =	swait.ge [sflag:s0], $0x2800  }
.Ltmp6:
0xf5: {  	[sflag:s0] =	ssyncset.done $0x0;
	(pc) =	sbr.rel @!p2 .LBB2_8-.Ltmp6, $4  }
0xf6: {  	s7 =	sadd.s32 $0x35C0, s8;
	[sflag:s0] =	ssyncadd.s32 $0xFFFFD800  }
0xf7: {  	[spmem:s2] =	stream.indirect.scatter.add.f32 [tilespmem:s28], [sflag:$0x3], $0x80, s7, s30, $0xb8;
	[tilespmem:$0x1FB80] =	vst v63  }
0xf8: {  	_ =	swait.ge [sflag:s29], $0x2800  }
0xf9: {  	s7 =	smov.u32 s9;
	[sflag:s29] =	ssyncset.done $0x0  }
.Ltmp7:
0xfa: {  	_ = 	snop;
	(pc) =	sbr.rel .LBB2_9-.Ltmp7, $1  }
0xfb: {  	_ =	sdelay $0x3  }
.LBB2_11:
0xfc: {  	_ =	sfence.sel $0x180000  }
0xfd: {  	[bflag:$0x0] =	sbarrier.arrive $0xFFFF  }
0xfe: {  	_ =	strace $0x9000004A  }
0xff: {  	s0 =	stileid.u32;
	[bflag:$0x2] =	sbarrier.arrive $0xFFFF  }
0x100: {  	p0 =	sne.s32 s0, $0x0;
	s0 =	rddreg [dreg:$0x2]  }
0x101: {  	s0 =	sadd.s32 @!p0 $0x100000, s0  }
0x102: {  	[sflag:s0] =	ssyncadd.tile.s32 @!p0 $0x1;
	_ =	shalt  }
.Lfunc_end2:
_tile_overlayer_lowered:
.L_overlay_start_2:
0x103: {  	(tag) =	ssettag $0x2  }
0x104: {  	s0 =	rddreg [dreg:$0x0];
	s2 =	stileid.u32  }
0x105: {  	s1 =	rddreg [dreg:$0x1];
	p0 =	sne.s32 s2, $0x0  }
0x106: {  	s3 =	rddreg [dreg:$0x2];
	[bflag:$0x3] =	sbarrier.arrive $0xFFFF;
	s2 =	simm.s32 @!p0 $0x1C03  }
0x107: {  	[timem:s3], [sflag:s2] =	dma.local @!p0 [hbm:s0], s1  }
0x108: {  	s0 =	simm.s32 @!p0 $0x3  }
0x109: {  	_ =	swait.ge @!p0 [sflag:s0], s1  }
0x10a: {  	s1 =	ssub.s32 @!p0 $0x0, s1;
	[sflag:s0] =	ssyncset.done @!p0 $0x0  }
0x10b: {  	[sflag:s0] =	ssyncadd.s32 @!p0 s1  }
0x10c: {  	[bflag:$0x3] =	sbarrier.arrive $0xFFFF  }
0x10d: {  	_ =	shalt  }

// kernel: kernel.14.cloned.1.call-start
scs
__scs_entry_jumppad:
0x0: {  	(pc) =	sbr.rel $0x88, $3  }
0x1: {  	(tag) =	ssettag $0x0;
	lr =	simm.s32 $0x1  }
0x2: {  	[smem:$0x3F9B] =	sst lr;
	_ =	strace $0xD0000000  }
0x3: {  	_ = 	snop  }
0x4: {  	_ = 	snop  }
0x5: {  	_ = 	snop  }
0x6: {  	_ = 	snop  }
0x7: {  	_ = 	snop  }
__scs_overlays_trampoline_lowered:
0x8: {  	[smem:$0x3FAA] =	sst s0  }
0x9: {  	[smem:$0x3FAB] =	sst s1  }
0xa: {  	[smem:$0x3FAC] =	sst s2  }
0xb: {  	[smem:$0x3FAD] =	sst s3  }
0xc: {  	[smem:$0x3FAE] =	sst s4  }
0xd: {  	[smem:$0x3FAF] =	sst s5  }
0xe: {  	[smem:$0x3FB0] =	sst s6  }
0xf: {  	[smem:$0x3FB1] =	sst s7  }
0x10: {  	[smem:$0x3FB2] =	sst s8  }
0x11: {  	[smem:$0x3FB3] =	sst s9;
	s0 =	simm.s32 @!p0 $0x0  }
0x12: {  	s1 =	sld [smem:$0x3F99];
	s0 =	simm.s32 @p0 $0x1  }
0x13: {  	[smem:$0x3FB4] =	sst s0;
	s0 =	simm.s32 @!p1 $0x0  }
0x14: {  	s2 =	sld [smem:$0x3F98];
	s0 =	simm.s32 @p1 $0x1  }
0x15: {  	[smem:$0x3FB5] =	sst s0;
	s0 =	simm.s32 @!p2 $0x0  }
0x16: {  	s3 =	sld [smem:$0x3FDB];
	s0 =	simm.s32 @p2 $0x1  }
0x17: {  	s4 =	simm.s32 $0x1BF5;
	[smem:$0x3FB7] =	sst s0  }
0x18: {  	s0 =	sld [smem:$0x3F9A];
	_ =	swait.ge [sflag:s4], $0x0  }
0x19: {  	s7 =	sld [smem:$0x3F9B]  }
0x1a: {  	s8 =	sadd.s32 $0xFFFFE003, lr  }
0x1b: {  	s9 =	sadd.s32 $0xFFFFFEF7, lr;
	s5 =	simm.s32 $0xFFFFFFFF;
	p2 =	slt.u32 s8, $0xFFFFF086  }
0x1c: {  	p1 =	slt.u32 s9, $0xF7A;
	s5 =	simm.s32 @!p2 $0x0  }
0x1d: {  	s5 =	simm.s32 @p1 $0x1;
	p0 =	seq.s32 s7, s2  }
0x1e: {  	s7 =	smul.u32 @!p0 $0xF7A, s2;
	p2 =	seq.s32 @!p0 s5, $0x0  }
0x1f: {  	s9 =	smul.u32 $0xF7A, s1;
	s8 =	simm.s32 @!p0 $0x1BF5;
	p2 =	por !p2, p0  }
0x20: {  	[sflag:s8] =	ssyncset.s32 @!p0 $0xFFFFF086;
	s6 =	sadd.s32 @!p0 s3, s7;
	s7 =	simm.s32 @!p0 $0x108  }
0x21: {  	s3 =	sadd.s32 s3, s9;
	s6 =	sadd.s32 @!p0 $0x88, s6;
	s7 =	simm.s32 @p2 $0x1082  }
0x22: {  	[simem:s7], [sflag:s8] =	dma.local @!p0 [hbm:s6], $0xF7A  }
0x23: {  	s9 =	sor.u32 $0xD0000000, s2;
	s6 =	simm.s32 $0x108;
	_ =	swait.ge @!p0 [sflag:s8], $0x0  }
0x24: {  	s3 =	sadd.s32 $0x88, s3;
	s6 =	simm.s32 @!p1 $0x1082;
	[sflag:s4] =	ssyncset.s32 $0xFFFFF086  }
0x25: {  	[simem:s6], [sflag:s4] =	dma.local [hbm:s3], $0xF7A  }
0x26: {  	[smem:$0x3F9B] =	sst s1;
	(tag) =	ssettag s2;
	_ =	strace s9  }
0x27: {  	s1 =	sld [smem:$0x3FAB]  }
0x28: {  	s2 =	sld [smem:$0x3FAC]  }
0x29: {  	s4 =	sld [smem:$0x3FAE]  }
0x2a: {  	p0 =	seq.s32 s5, $0x0;
	s5 =	sld [smem:$0x3FAF]  }
0x2b: {  	s6 =	sld [smem:$0x3FB0]  }
0x2c: {  	s7 =	sld [smem:$0x3FB1]  }
0x2d: {  	s3 =	simm.s32 $0x108;
	s8 =	sld [smem:$0x3FB2]  }
0x2e: {  	s3 =	simm.s32 @!p0 $0x1082;
	s9 =	sld [smem:$0x3FB3]  }
0x2f: {  	lr =	sadd.s32 s0, s3;
	s0 =	sld [smem:$0x3FAA]  }
0x30: {  	s3 =	sld [smem:$0x3FAD]  }
0x31: {  	[smem:$0x3FB6] =	sst s10  }
0x32: {  	s10 =	sld [smem:$0x3FB4];
	_ =	sdelay $0x3  }
0x33: {  	p0 =	seq.s32 s10, $0x1;
	s10 =	sld [smem:$0x3FB6];
	_ =	sdelay $0x3  }
0x34: {  	[smem:$0x3FB6] =	sst s10  }
0x35: {  	s10 =	sld [smem:$0x3FB5];
	_ =	sdelay $0x3  }
0x36: {  	p1 =	seq.s32 s10, $0x1;
	s10 =	sld [smem:$0x3FB6];
	_ =	sdelay $0x3  }
0x37: {  	[smem:$0x3FB6] =	sst s10  }
0x38: {  	s10 =	sld [smem:$0x3FB7]  }
0x39: {  	_ = 	snop;
	(pc) =	sbr.ind lr, $3  }
0x3a: {  	_ = 	snop  }
0x3b: {  	_ = 	snop  }
0x3c: {  	p2 =	seq.s32 s10, $0x1;
	s10 =	sld [smem:$0x3FB6]  }
0x3d: {  	_ =	shalt  }
0x3e: {  	_ =	shalt  }
0x3f: {  	_ =	shalt  }
0x40: {  	_ =	shalt  }
0x41: {  	_ =	shalt  }
0x42: {  	_ =	shalt  }
0x43: {  	_ =	shalt  }
0x44: {  	_ =	shalt  }
0x45: {  	_ =	shalt  }
0x46: {  	_ =	shalt  }
0x47: {  	_ =	shalt  }
0x48: {  	_ =	shalt  }
0x49: {  	_ =	shalt  }
0x4a: {  	_ =	shalt  }
0x4b: {  	_ =	shalt  }
0x4c: {  	_ =	shalt  }
0x4d: {  	_ =	shalt  }
0x4e: {  	_ =	shalt  }
0x4f: {  	_ =	shalt  }
0x50: {  	_ =	shalt  }
0x51: {  	_ =	shalt  }
0x52: {  	_ =	shalt  }
0x53: {  	_ =	shalt  }
0x54: {  	_ =	shalt  }
0x55: {  	_ =	shalt  }
0x56: {  	_ =	shalt  }
0x57: {  	_ =	shalt  }
0x58: {  	_ =	shalt  }
0x59: {  	_ =	shalt  }
0x5a: {  	_ =	shalt  }
0x5b: {  	_ =	shalt  }
0x5c: {  	_ =	shalt  }
0x5d: {  	_ =	shalt  }
0x5e: {  	_ =	shalt  }
0x5f: {  	_ =	shalt  }
0x60: {  	_ =	shalt  }
0x61: {  	_ =	shalt  }
0x62: {  	_ =	shalt  }
0x63: {  	_ =	shalt  }
0x64: {  	_ =	shalt  }
0x65: {  	_ =	shalt  }
0x66: {  	_ =	shalt  }
0x67: {  	_ =	shalt  }
0x68: {  	_ =	shalt  }
0x69: {  	_ =	shalt  }
0x6a: {  	_ =	shalt  }
0x6b: {  	_ =	shalt  }
0x6c: {  	_ =	shalt  }
0x6d: {  	_ =	shalt  }
0x6e: {  	_ =	shalt  }
0x6f: {  	_ =	shalt  }
0x70: {  	_ =	shalt  }
0x71: {  	_ =	shalt  }
0x72: {  	_ =	shalt  }
0x73: {  	_ =	shalt  }
0x74: {  	_ =	shalt  }
0x75: {  	_ =	shalt  }
0x76: {  	_ =	shalt  }
0x77: {  	_ =	shalt  }
0x78: {  	_ =	shalt  }
0x79: {  	_ =	shalt  }
0x7a: {  	_ =	shalt  }
0x7b: {  	_ =	shalt  }
0x7c: {  	_ =	shalt  }
0x7d: {  	_ =	shalt  }
0x7e: {  	_ =	shalt  }
0x7f: {  	_ =	shalt  }
0x80: {  	_ =	shalt  }
0x81: {  	_ =	shalt  }
0x82: {  	_ =	shalt  }
0x83: {  	_ =	shalt  }
0x84: {  	_ =	shalt  }
0x85: {  	_ =	shalt  }
0x86: {  	_ =	shalt  }
0x87: {  	_ =	shalt  }
.Lfunc_end0:
.L_simem_size_0:
called_computation.2_lowered:
.L_overlay_start_0:
0x88: {  	s2 =	sld [smem:$0x3FD9]  }
0x89: {  	s3 =	sld [smem:$0x3FFE];
	_ =	sdelay $0x1  }
0x8a: {  	s1 =	srdreg.scid  }
0x8b: {  	s0 =	sand.u32 $0x1, s1  }
0x8c: {  	s16 =	sshll.u32 s0, $0xA;
	s2 =	sadd.s32 s3, s2  }
0x8d: {  	s2 =	sadd.s32 s2, s16  }
0x8e: {  	[smem:$0x3FC2] =	sst s2  }
0x8f: {  	_ = 	snop  }
0x90: {  	(tm) =	ssettm $0x1  }
0x91: {  	s17 =	sld [smem:$0x3FFB];
	_ =	sdelay $0x3  }
0x92: {  	_ =	strace s17  }
0x93: {  	s2 =	sld [smem:$0x3FFC];
	_ =	sdelay $0x3  }
0x94: {  	_ =	strace s2  }
0x95: {  	s2 =	sld [smem:$0x3FFD];
	_ =	sdelay $0x3  }
0x96: {  	_ =	strace s2  }
0x97: {  	_ =	strace $0x8FFFFFFF  }
0x98: {  	s18 =	sld [smem:$0x3FDB];
	_ =	sdelay $0x1  }
0x99: {  	s19 =	simm.s32 $_scs_section_size  }
0x9a: {  	s4 =	simm.s32 $_size__tile_overlayer_lowered;
	s5 =	simm.s32 $_tile_overlayer_lowered  }
0x9b: {  	s22 =	simm.s32 $0x1BFF;
	s21 =	sshll.u32 s5, $0x1;
	s2 =	sadd.s32 s19, s18  }
0x9c: {  	s6 =	simm.s32 $0x0;
	s20 =	sshll.u32 s4, $0x1;
	s4 =	sadd.s32 s21, s2  }
0x9d: {  	[timem:s6], [sflag:s22] =	dma.local [hbm:s4], s20  }
0x9e: {  	_ =	swait.ge [sflag:s22], s20  }
0x9f: {  	s3 =	ssub.s32 $0x0, s20;
	[sflag:s22] =	ssyncset.done $0x0  }
0xa0: {  	[sflag:s22] =	ssyncadd.s32 s3;
	_ =	sdelay $0x1  }
0xa1: {  	s23 =	simm.s32 $0x1B8B  }
0xa2: {  	_ =	swait.ge [sflag:s23], $0x1  }
0xa3: {  	[sflag:s23] =	ssyncset.done $0x0  }
0xa4: {  	s25 =	simm.s32 $0x1B8E;
	s24 =	sld [smem:$0x3FFE];
	[sflag:s23] =	ssyncadd.s32 $0xFFFFFFFF  }
0xa5: {  	s26 =	simm.s32 $execute0_lowered;
	[smem:$0x3FD2] =	sst s25  }
0xa6: {  	s4 =	sshll.u32 s26, $0x1;
	_ =	strace $0x8000004C;
	[dreg:$0x1] =	wrdreg $0xFFFFFFFF  }
0xa7: {  	s28 =	simm.s32 $_size_execute0_lowered;
	s2 =	sadd.s32 s2, s4;
	[dreg:$0x0] =	wrdreg $0x0  }
0xa8: {  	s4 =	sshll.u32 s28, $0x1;
	[dreg:$0x2] =	wrdreg s2  }
0xa9: {  	[dreg:$0x3] =	wrdreg s4  }
0xaa: {  	[dreg:$0x4] =	wrdreg $0xC0  }
0xab: {  	_ =	task [dreg:s6], $0x5FFFF  }
0xac: {  	[dreg:$0x1] =	wrdreg $0xFFFFFFFF  }
0xad: {  	[dreg:$0x0] =	wrdreg $0x60  }
0xae: {  	[dreg:$0x2] =	wrdreg s24  }
0xaf: {  	[dreg:$0x3] =	wrdreg $0xBB800  }
0xb0: {  	[dreg:$0x4] =	wrdreg $0x9  }
0xb1: {  	_ =	task.clear_ibuf [dreg:s6], $0x5FFFF;
	_ =	strace $0x9000004C  }
0xb2: {  	s29 =	simm.s32 $0x9;
	_ =	strace $0x8000004E  }
0xb3: {  	_ =	swait.ge [sflag:s29], $0x1  }
0xb4: {  	[sflag:s29] =	ssyncadd.s32 $0xFFFFFFFF  }
0xb5: {  	_ =	strace $0x9000004E  }
0xb6: {  	_ =	sfence  }
0xb7: {  	s30 =	sld [smem:$0x0];
	_ =	sdelay $0x2  }
0xb8: {  	s31 =	sshll.u32 s1, $0xD;
	s1 =	sshrl.u32 s1, $0x2  }
0xb9: {  	s3 =	sand.u32 $0x4000, s31;
	s1 =	sadd.s32 s1, s30  }
0xba: {  	s0 =	sor.u32 s3, s0;
	s1 =	sshll.u32 s1, $0x11  }
0xbb: {  	s0 =	sor.u32 s1, s0  }
0xbc: {  	s0 =	sadd.s32 $0x8F2B, s0  }
0xbd: {  	[sflag:s0] =	ssyncadd.remote.s32 $0x1  }
0xbe: {  	_ =	sfence.sel $0xFFFF  }
0xbf: {  	[dreg:$0x0] =	wrdreg $0xFFFFFFFF;
	(pc) =	sbr.abs _section_cstart, $3  }
0xc0: {  	[dreg:$0x1] =	wrdreg $0xFFFFFFFF  }
0xc1: {  	_ =	task.clear_ibuf [dreg:s6], $0x2FFFF;
	_ =	strace $0x9FFFFFFF  }
0xc2: {  	(tm) =	ssettm $0x7FFFFFFF  }
0xc3: {  	_ =	shalt  }
tec
execute0_lowered:
.L_overlay_start_1:
0x0: {  	(tag) =	ssettag $0x1  }
0x1: {  	s0 =	rddreg [dreg:$0x0]  }
0x2: {  	s2 =	rddreg [dreg:$0x1];
	s3 =	simm.s32 $0x0;
	s14 =	stileid.u32  }
0x3: {  	s1 =	srdreg.scid;
	s28 =	simm.s32 $0x6B80;
	s29 =	simm.s32 $0x3  }
0x4: {  	s30 =	simm.s32 $0x50;
	s31 =	simm.s32 $0x9380;
	s5 =	smul.u32 $0x6B8, s14  }
0x5: {  	[smem:$0x7FF] =	sst s3;
	s1 =	sand.u32 $0x1, s1;
	s6 =	smul.u32 $0x30C, s14  }
0x6: {  	s4 =	sadd.s32 $0x6B400, s0;
	s17 =	smul.u32 $0x14000, s14;
	_ =	strace $0x8000004D  }
0x7: {  	s7 =	ssub.s32 $0x2, s1;
	s10 =	smul.u32 $0x140000, s1;
	p0 =	sne.s32 s1, $0x0  }
0x8: {  	p1 =	seq.s32 s1, $0x0;
	s1 =	simm.s32 $0x2;
	s5 =	sadd.s32 s5, s0  }
0x9: {  	s8 =	sshrl.u32 s7, $0x1;
	s6 =	sadd.s32 s6, s0;
	s0 =	sadd.s32 $0x93400, s0  }
0xa: {  	s20 =	sor.u32 $0x2800, s17;
	s21 =	sadd.s32 $0x5000, s17;
	s22 =	sadd.s32 $0x7800, s17  }
0xb: {  	s23 =	sadd.s32 $0xA000, s17;
	s24 =	sadd.s32 $0xC800, s17;
	s25 =	sadd.s32 $0xF000, s17  }
0xc: {  	s26 =	sadd.s32 $0x11800, s17;
	s7 =	ssub.s32 s7, s8;
	s15 =	sadd.s32 s10, s17  }
0xd: {  	s9 =	sadd.s32 s10, s20;
	s18 =	sadd.s32 s10, s21;
	s19 =	sadd.s32 s10, s22  }
0xe: {  	s11 =	sadd.s32 s10, s23;
	s17 =	sadd.s32 s17, s2;
	s20 =	sadd.s32 s20, s2  }
0xf: {  	s21 =	sadd.s32 s21, s2;
	s22 =	sadd.s32 s22, s2;
	s23 =	sadd.s32 s23, s2  }
0x10: {  	s8 =	sshrl.u32 s15, $0x3;
	s9 =	sshrl.u32 s9, $0x3;
	s12 =	sshrl.u32 s11, $0x3  }
0x11: {  	s15 =	sadd.s32 s10, s24;
	s24 =	sadd.s32 s24, s2;
	s8 =	sadd.s32 s0, s8  }
0x12: {  	s16 =	sadd.s32 s0, s9;
	s9 =	sshrl.u32 s19, $0x3;
	s13 =	sadd.s32 s0, s12  }
0x13: {  	s11 =	sshrl.u32 s15, $0x3;
	s12 =	sadd.s32 s10, s25;
	s19 =	smul.u32 $0x50000, s14  }
0x14: {  	s14 =	sadd.s32 $0xAA00, s6;
	s15 =	sadd.s32 $0x14800, s5;
	[dreg:$0x3] =	wrdreg s8  }
0x15: {  	s25 =	sadd.s32 s25, s2;
	[dreg:$0x4] =	wrdreg s16;
	s8 =	sshrl.u32 s18, $0x3  }
0x16: {  	[dreg:$0x7] =	wrdreg s13;
	s13 =	sadd.s32 s10, s26;
	s10 =	sadd.s32 s0, s11  }
0x17: {  	s16 =	sshrl.u32 s12, $0x3;
	s26 =	sadd.s32 s26, s2;
	s8 =	sadd.s32 s0, s8  }
.Ltmp0:
0x18: {  	s18 =	sshrl.u32 s13, $0x3;
	s11 =	sadd.s32 s0, s16;
	(pc) =	sbr.rel .LBB2_1-.Ltmp0, $4  }
0x19: {  	s13 =	sadd.s32 $0x7800, s6;
	s16 =	sadd.s32 $0xDC00, s5;
	[dreg:$0x8] =	wrdreg s26  }
0x1a: {  	s5 =	simm.s32 $0x0;
	[dreg:$0x5] =	wrdreg s8;
	s8 =	sadd.s32 s0, s9  }
0x1b: {  	s12 =	sadd.s32 s0, s18;
	s18 =	smax.u32 s7, $0x1;
	s0 =	sshrl.u32 s19, $0x2  }
0x1c: {  	v0 =	vimm.f32 $0.0e+00;
	[dreg:$0x6] =	wrdreg s8;
	s19 =	sadd.s32 s0, s2;
	s0 =	simm.s32 $0x1  }
.LBB2_9:
0x1d: {  	s6 =	sshra.s32 s6, $0x2;
	[sflag:s29] =	ssyncadd.s32 $0xFFFFD800  }
0x1e: {  	[tilespmem:s28], [sflag:$0x1] =	stream.indirect.gather [hbm4b:s4+s30], $0x80, s6, s30, $0xb8;
	[tilespmem:$0x1FB80] =	vst v63  }
0x1f: {  	_ =	swait.ge [sflag:s0], $0x2800  }
0x20: {  	[sflag:s0] =	ssyncset.done $0x0  }
0x21: {  	s6 =	sadd.s32 $0x35C0, s6;
	[sflag:s0] =	ssyncadd.s32 $0xFFFFD800  }
0x22: {  	[spmem:s2] =	stream.indirect.scatter.add.f32 [tilespmem:s28], [sflag:$0x3], $0x80, s6, s30, $0xb8;
	[tilespmem:$0x1FB80] =	vst v63  }
0x23: {  	_ =	swait.ge [sflag:s29], $0x2800  }
0x24: {  	[sflag:s29] =	ssyncset.done $0x0  }
0x25: {  	[sflag:s29] =	ssyncadd.s32 $0xFFFFD800  }
.LBB2_10:
0x26: {  	[bflag:$0x0] =	sbarrier.arrive $0xFFFF  }
0x27: {  	[tilespmem:s28], [sflag:$0x3] =	stream.linear.gather [spmem:s17], $0x2800, $0x38;
	[tilespmem:$0x1FB80] =	vst v63  }
0x28: {  	_ =	swait.ge [sflag:s29], $0x2800  }
0x29: {  	[sflag:s29] =	ssyncset.done $0x0  }
0x2a: {  	s6 =	rddreg [dreg:$0x3];
	[sflag:s29] =	ssyncadd.s32 $0xFFFFD800  }
0x2b: {  	[hbm4b:s6+s3] =	stream.linear.scatter [tilespmem:s28], [sflag:$0x3], $0x2800, $0x38;
	[tilespmem:$0x1FB80] =	vst v63  }
0x2c: {  	_ =	swait.ge [sflag:s29], $0x2800  }
0x2d: {  	[sflag:s29] =	ssyncset.done $0x0  }
0x2e: {  	[sflag:s29] =	ssyncadd.s32 $0xFFFFD800  }
0x2f: {  	[tilespmem:s28], [sflag:$0x3] =	stream.linear.gather [spmem:s20], $0x2800, $0x38;
	[tilespmem:$0x1FB80] =	vst v63  }
0x30: {  	_ =	swait.ge [sflag:s29], $0x2800  }
0x31: {  	[sflag:s29] =	ssyncset.done $0x0  }
0x32: {  	s9 =	rddreg [dreg:$0x4];
	[sflag:s29] =	ssyncadd.s32 $0xFFFFD800  }
0x33: {  	[hbm4b:s9+s3] =	stream.linear.scatter [tilespmem:s28], [sflag:$0x3], $0x2800, $0x38;
	[tilespmem:$0x1FB80] =	vst v63  }
0x34: {  	_ =	swait.ge [sflag:s29], $0x2800  }
0x35: {  	[sflag:s29] =	ssyncset.done $0x0  }
0x36: {  	[sflag:s29] =	ssyncadd.s32 $0xFFFFD800  }
0x37: {  	[tilespmem:s28], [sflag:$0x3] =	stream.linear.gather [spmem:s21], $0x2800, $0x38;
	[tilespmem:$0x1FB80] =	vst v63  }
0x38: {  	_ =	swait.ge [sflag:s29], $0x2800  }
0x39: {  	[sflag:s29] =	ssyncset.done $0x0  }
0x3a: {  	s7 =	rddreg [dreg:$0x5];
	[sflag:s29] =	ssyncadd.s32 $0xFFFFD800  }
0x3b: {  	[hbm4b:s7+s3] =	stream.linear.scatter [tilespmem:s28], [sflag:$0x3], $0x2800, $0x38;
	[tilespmem:$0x1FB80] =	vst v63  }
0x3c: {  	_ =	swait.ge [sflag:s29], $0x2800  }
0x3d: {  	[sflag:s29] =	ssyncset.done $0x0  }
0x3e: {  	[sflag:s29] =	ssyncadd.s32 $0xFFFFD800  }
0x3f: {  	[tilespmem:s28], [sflag:$0x3] =	stream.linear.gather [spmem:s22], $0x2800, $0x38;
	[tilespmem:$0x1FB80] =	vst v63  }
0x40: {  	_ =	swait.ge [sflag:s29], $0x2800  }
0x41: {  	[sflag:s29] =	ssyncset.done $0x0  }
0x42: {  	s8 =	rddreg [dreg:$0x6];
	[sflag:s29] =	ssyncadd.s32 $0xFFFFD800  }
0x43: {  	[hbm4b:s8+s3] =	stream.linear.scatter [tilespmem:s28], [sflag:$0x3], $0x2800, $0x38;
	[tilespmem:$0x1FB80] =	vst v63  }
0x44: {  	_ =	swait.ge [sflag:s29], $0x2800  }
0x45: {  	[sflag:s29] =	ssyncset.done $0x0  }
0x46: {  	[sflag:s29] =	ssyncadd.s32 $0xFFFFD800  }
0x47: {  	[tilespmem:s28], [sflag:$0x3] =	stream.linear.gather [spmem:s23], $0x2800, $0x38;
	[tilespmem:$0x1FB80] =	vst v63  }
0x48: {  	_ =	swait.ge [sflag:s29], $0x2800  }
0x49: {  	[sflag:s29] =	ssyncset.done $0x0  }
0x4a: {  	s9 =	rddreg [dreg:$0x7];
	[sflag:s29] =	ssyncadd.s32 $0xFFFFD800  }
0x4b: {  	[hbm4b:s9+s3] =	stream.linear.scatter [tilespmem:s28], [sflag:$0x3], $0x2800, $0x38;
	[tilespmem:$0x1FB80] =	vst v63  }
0x4c: {  	_ =	swait.ge [sflag:s29], $0x2800  }
0x4d: {  	[sflag:s29] =	ssyncset.done $0x0  }
0x4e: {  	[sflag:s29] =	ssyncadd.s32 $0xFFFFD800  }
0x4f: {  	[tilespmem:s28], [sflag:$0x3] =	stream.linear.gather [spmem:s24], $0x2800, $0x38;
	[tilespmem:$0x1FB80] =	vst v63  }
0x50: {  	_ =	swait.ge [sflag:s29], $0x2800  }
0x51: {  	[sflag:s29] =	ssyncset.done $0x0  }
0x52: {  	[sflag:s29] =	ssyncadd.s32 $0xFFFFD800  }
0x53: {  	[hbm4b:s10+s3] =	stream.linear.scatter [tilespmem:s28], [sflag:$0x3], $0x2800, $0x38;
	[tilespmem:$0x1FB80] =	vst v63  }
0x54: {  	_ =	swait.ge [sflag:s29], $0x2800  }
0x55: {  	[sflag:s29] =	ssyncset.done $0x0  }
0x56: {  	[sflag:s29] =	ssyncadd.s32 $0xFFFFD800  }
0x57: {  	[tilespmem:s28], [sflag:$0x3] =	stream.linear.gather [spmem:s25], $0x2800, $0x38;
	[tilespmem:$0x1FB80] =	vst v63  }
0x58: {  	_ =	swait.ge [sflag:s29], $0x2800  }
0x59: {  	[sflag:s29] =	ssyncset.done $0x0  }
0x5a: {  	[sflag:s29] =	ssyncadd.s32 $0xFFFFD800  }
0x5b: {  	[hbm4b:s11+s3] =	stream.linear.scatter [tilespmem:s28], [sflag:$0x3], $0x2800, $0x38;
	[tilespmem:$0x1FB80] =	vst v63  }
0x5c: {  	_ =	swait.ge [sflag:s29], $0x2800  }
0x5d: {  	[sflag:s29] =	ssyncset.done $0x0  }
0x5e: {  	[sflag:s29] =	ssyncadd.s32 $0xFFFFD800  }
0x5f: {  	[tilespmem:s28], [sflag:$0x3] =	stream.linear.gather [spmem:s26], $0x2800, $0x38;
	[tilespmem:$0x1FB80] =	vst v63  }
0x60: {  	s5 =	sadd.s32 $0x1, s5;
	_ =	swait.ge [sflag:s29], $0x2800  }
0x61: {  	p2 =	sne.s32 s5, s18;
	[sflag:s29] =	ssyncset.done $0x0  }
.Ltmp1:
0x62: {  	[sflag:s29] =	ssyncadd.s32 $0xFFFFD800;
	(pc) =	sbr.rel @!p2 .LBB2_11-.Ltmp1, $4  }
0x63: {  	[hbm4b:s12+s3] =	stream.linear.scatter [tilespmem:s28], [sflag:$0x3], $0x2800, $0x38;
	[tilespmem:$0x1FB80] =	vst v63  }
0x64: {  	_ =	swait.ge [sflag:s29], $0x2800  }
0x65: {  	[sflag:s29] =	ssyncset.done $0x0  }
0x66: {  	[sflag:s29] =	ssyncadd.s32 $0xFFFFD800  }
.LBB2_1:
0x67: {  	s6 =	simm.s32 @p0 $0x0;
	s7 =	simm.s32 @p0 $0x3  }
0x68: {  	[tilespmem:s6], [sflag:$0x3] =	stream.linear.gather @p0 [hbm4b:s13+s6], $0x1860, $0x38;
	[tilespmem:$0x1FB80] =	vst v63  }
0x69: {  	_ =	swait.ge @p0 [sflag:s7], $0x1860  }
0x6a: {  	[sflag:s7] =	ssyncset.done @p0 $0x0  }
0x6b: {  	s8 =	simm.s32 @p0 $0x35C0;
	[sflag:s7] =	ssyncadd.s32 @p0 $0xFFFFE7A0  }
0x6c: {  	[tilespmem:s8], [sflag:$0x3] =	stream.linear.gather @p0 [hbm4b:s14+s6], $0x1860, $0x38;
	[tilespmem:$0x1FB80] =	vst v63  }
0x6d: {  	_ =	swait.ge @p0 [sflag:s7], $0x1860  }
0x6e: {  	[sflag:s7] =	ssyncset.done @p0 $0x0  }
0x6f: {  	s6 =	simm.s32 @!p0 $0x0;
	[sflag:s7] =	ssyncadd.s32 @p0 $0xFFFFE7A0;
	s7 =	simm.s32 @!p0 $0x3  }
0x70: {  	[tilespmem:s6], [sflag:$0x3] =	stream.linear.gather @!p0 [hbm4b:s15+s6], $0x35C0, $0x38;
	[tilespmem:$0x1FB80] =	vst v63  }
0x71: {  	_ =	swait.ge @!p0 [sflag:s7], $0x35C0  }
0x72: {  	[sflag:s7] =	ssyncset.done @!p0 $0x0  }
0x73: {  	s8 =	simm.s32 @!p0 $0x35C0;
	[sflag:s7] =	ssyncadd.s32 @!p0 $0xFFFFCA40  }
0x74: {  	[tilespmem:s8], [sflag:$0x3] =	stream.linear.gather @!p0 [hbm4b:s16+s6], $0x35C0, $0x38;
	[tilespmem:$0x1FB80] =	vst v63  }
0x75: {  	_ =	swait.ge @!p0 [sflag:s7], $0x35C0  }
0x76: {  	s6 =	simm.s32 @!p0 $0x1C0;
	[sflag:s7] =	ssyncset.done @!p0 $0x0  }
0x77: {  	s6 =	simm.s32 @p0 $0x1C0;
	[sflag:s7] =	ssyncadd.s32 @!p0 $0xFFFFCA40  }
.LBB2_2:
0x78: {  	s7 =	sshra.s32 s6, $0x2  }
0x79: {  	[tilespmem:s7+$0x6B10] =	vst v0  }
0x7a: {  	[tilespmem:s7+$0x6B20] =	vst v0  }
0x7b: {  	p2 =	seq.s32 s6, $0x9FC0;
	[tilespmem:s7+$0x6B30] =	vst v0  }
.Ltmp2:
0x7c: {  	[tilespmem:s7+$0x6B40] =	vst v0;
	(pc) =	sbr.rel @!p2 .LBB2_2-.Ltmp2, $4  }
0x7d: {  	[tilespmem:s7+$0x6B50] =	vst v0  }
0x7e: {  	[tilespmem:s7+$0x6B60] =	vst v0  }
0x7f: {  	[tilespmem:s7+$0x6B70] =	vst v0  }
0x80: {  	s6 =	sadd.s32 $0x200, s6;
	[tilespmem:s7+$0x6B80] =	vst v0  }
0x81: {  	[spmem:s19] =	stream.linear.scatter [tilespmem:s28], [sflag:$0x3], $0x2800, $0x38;
	[tilespmem:$0x1FB80] =	vst v63  }
0x82: {  	_ =	swait.ge [sflag:s29], $0x2800  }
0x83: {  	[sflag:s29] =	ssyncset.done $0x0  }
0x84: {  	[sflag:s29] =	ssyncadd.s32 $0xFFFFD800  }
0x85: {  	[spmem:s20] =	stream.linear.scatter [tilespmem:s28], [sflag:$0x3], $0x2800, $0x38;
	[tilespmem:$0x1FB80] =	vst v63  }
0x86: {  	_ =	swait.ge [sflag:s29], $0x2800  }
0x87: {  	[sflag:s29] =	ssyncset.done $0x0  }
0x88: {  	[sflag:s29] =	ssyncadd.s32 $0xFFFFD800  }
0x89: {  	[spmem:s21] =	stream.linear.scatter [tilespmem:s28], [sflag:$0x3], $0x2800, $0x38;
	[tilespmem:$0x1FB80] =	vst v63  }
0x8a: {  	_ =	swait.ge [sflag:s29], $0x2800  }
0x8b: {  	[sflag:s29] =	ssyncset.done $0x0  }
0x8c: {  	[sflag:s29] =	ssyncadd.s32 $0xFFFFD800  }
0x8d: {  	[spmem:s22] =	stream.linear.scatter [tilespmem:s28], [sflag:$0x3], $0x2800, $0x38;
	[tilespmem:$0x1FB80] =	vst v63  }
0x8e: {  	_ =	swait.ge [sflag:s29], $0x2800  }
0x8f: {  	[sflag:s29] =	ssyncset.done $0x0  }
0x90: {  	[sflag:s29] =	ssyncadd.s32 $0xFFFFD800  }
0x91: {  	[spmem:s23] =	stream.linear.scatter [tilespmem:s28], [sflag:$0x3], $0x2800, $0x38;
	[tilespmem:$0x1FB80] =	vst v63  }
0x92: {  	_ =	swait.ge [sflag:s29], $0x2800  }
0x93: {  	[sflag:s29] =	ssyncset.done $0x0  }
0x94: {  	[sflag:s29] =	ssyncadd.s32 $0xFFFFD800  }
0x95: {  	[spmem:s24] =	stream.linear.scatter [tilespmem:s28], [sflag:$0x3], $0x2800, $0x38;
	[tilespmem:$0x1FB80] =	vst v63  }
0x96: {  	_ =	swait.ge [sflag:s29], $0x2800  }
0x97: {  	[sflag:s29] =	ssyncset.done $0x0  }
0x98: {  	[sflag:s29] =	ssyncadd.s32 $0xFFFFD800  }
0x99: {  	[spmem:s25] =	stream.linear.scatter [tilespmem:s28], [sflag:$0x3], $0x2800, $0x38;
	[tilespmem:$0x1FB80] =	vst v63  }
0x9a: {  	_ =	swait.ge [sflag:s29], $0x2800  }
0x9b: {  	[sflag:s29] =	ssyncset.done $0x0  }
0x9c: {  	[sflag:s29] =	ssyncadd.s32 $0xFFFFD800  }
0x9d: {  	[spmem:s26] =	stream.linear.scatter [tilespmem:s28], [sflag:$0x3], $0x2800, $0x38;
	[tilespmem:$0x1FB80] =	vst v63  }
.Ltmp3:
0x9e: {  	_ =	swait.ge [sflag:s29], $0x2800;
	(pc) =	sbr.rel @!p1 .LBB2_7-.Ltmp3, $4  }
0x9f: {  	[sflag:s29] =	ssyncset.done $0x0  }
0xa0: {  	[sflag:s29] =	ssyncadd.s32 $0xFFFFD800  }
0xa1: {  	[bflag:$0x0] =	sbarrier.arrive $0xFFFF  }
0xa2: {  	s6 =	simm.s32 $0x0  }
0xa3: {  	[tilespmem:s28], [sflag:$0x1] =	stream.indirect.gather [hbm4b:s4+s30], $0x80, s6, s30, $0xb8;
	[tilespmem:$0x1FB80] =	vst v63  }
0xa4: {  	s26 =	smov.u32 s25;
	s7 =	simm.s32 $0x50  }
0xa5: {  	[tilespmem:s31], [sflag:$0x2] =	stream.indirect.gather [hbm4b:s4+s30], $0x80, s7, s30, $0xb8;
	[tilespmem:$0x1FB80] =	vst v63  }
0xa6: {  	s25 =	smov.u32 s24;
	s24 =	smov.u32 s23;
	_ =	swait.ge [sflag:s0], $0x2800  }
0xa7: {  	s23 =	smov.u32 s22;
	s22 =	smov.u32 s21;
	[sflag:s0] =	ssyncset.done $0x0  }
0xa8: {  	s21 =	smov.u32 s20;
	s8 =	simm.s32 $0x35C0;
	[sflag:s0] =	ssyncadd.s32 $0xFFFFD800  }
0xa9: {  	[spmem:s2] =	stream.indirect.scatter.add.f32 [tilespmem:s28], [sflag:$0x3], $0x80, s8, s30, $0xb8;
	[tilespmem:$0x1FB80] =	vst v63  }
0xaa: {  	s20 =	smov.u32 s19;
	s19 =	smov.u32 s18;
	_ =	swait.ge [sflag:s29], $0x2800  }
0xab: {  	s18 =	smov.u32 s17;
	s17 =	smov.u32 s16;
	[sflag:s29] =	ssyncset.done $0x0  }
0xac: {  	s16 =	smov.u32 s15;
	s9 =	simm.s32 $0xA0;
	[sflag:s29] =	ssyncadd.s32 $0xFFFFD800  }
0xad: {  	[tilespmem:s28], [sflag:$0x1] =	stream.indirect.gather [hbm4b:s4+s30], $0x80, s9, s30, $0xb8;
	[tilespmem:$0x1FB80] =	vst v63  }
0xae: {  	s15 =	smov.u32 s14;
	s14 =	smov.u32 s13;
	_ =	swait.ge [sflag:s1], $0x2800  }
0xaf: {  	s13 =	smov.u32 s12;
	s12 =	smov.u32 s11;
	[sflag:s1] =	ssyncset.done $0x0  }
0xb0: {  	s11 =	smov.u32 s10;
	s10 =	simm.s32 $0x3610;
	[sflag:s1] =	ssyncadd.s32 $0xFFFFD800  }
0xb1: {  	[spmem:s2] =	stream.indirect.scatter.add.f32 [tilespmem:s31], [sflag:$0x3], $0x80, s10, s30, $0xb8;
	[tilespmem:$0x1FB80] =	vst v63  }
0xb2: {  	_ =	swait.ge [sflag:s29], $0x2800  }
0xb3: {  	s6 =	simm.s32 $0xA0;
	s7 =	simm.s32 $0x500;
	[sflag:s29] =	ssyncset.done $0x0  }
.LBB2_5:
0xb4: {  	s8 =	sadd.s32 $0x50, s6  }
0xb5: {  	[sflag:s29] =	ssyncadd.s32 $0xFFFFD800;
	s9 =	smov.u32 s7;
	s10 =	sadd.s32 $0x280, s7  }
0xb6: {  	[tilespmem:s31], [sflag:$0x2] =	stream.indirect.gather [hbm4b:s4+s30], $0x80, s8, s30, $0xb8;
	[tilespmem:$0x1FB80] =	vst v63  }
0xb7: {  	p2 =	seq.s32 s7, $0xD200;
	_ =	swait.ge [sflag:s0], $0x2800  }
0xb8: {  	[sflag:s0] =	ssyncset.done $0x0  }
0xb9: {  	s7 =	sadd.s32 $0x35C0, s6;
	[sflag:s0] =	ssyncadd.s32 $0xFFFFD800  }
0xba: {  	[spmem:s2] =	stream.indirect.scatter.add.f32 [tilespmem:s28], [sflag:$0x3], $0x80, s7, s30, $0xb8;
	[tilespmem:$0x1FB80] =	vst v63  }
0xbb: {  	_ =	swait.ge [sflag:s29], $0x2800  }
0xbc: {  	[sflag:s29] =	ssyncset.done $0x0  }
0xbd: {  	s7 =	sadd.s32 $0xA0, s6;
	[sflag:s29] =	ssyncadd.s32 $0xFFFFD800  }
0xbe: {  	[tilespmem:s28], [sflag:$0x1] =	stream.indirect.gather [hbm4b:s4+s30], $0x80, s7, s30, $0xb8;
	[tilespmem:$0x1FB80] =	vst v63  }
0xbf: {  	_ =	swait.ge [sflag:s1], $0x2800  }
.Ltmp4:
0xc0: {  	[sflag:s1] =	ssyncset.done $0x0;
	(pc) =	sbr.rel @!p2 .LBB2_5-.Ltmp4, $4  }
0xc1: {  	s6 =	sadd.s32 $0x3610, s6;
	[sflag:s1] =	ssyncadd.s32 $0xFFFFD800  }
0xc2: {  	[spmem:s2] =	stream.indirect.scatter.add.f32 [tilespmem:s31], [sflag:$0x3], $0x80, s6, s30, $0xb8;
	[tilespmem:$0x1FB80] =	vst v63  }
0xc3: {  	_ =	swait.ge [sflag:s29], $0x2800  }
0xc4: {  	s7 =	smov.u32 s10;
	s6 =	sshra.s32 s9, $0x2;
	[sflag:s29] =	ssyncset.done $0x0  }
0xc5: {  	s7 =	sadd.s32 $0x50, s6;
	[sflag:s29] =	ssyncadd.s32 $0xFFFFD800  }
0xc6: {  	[tilespmem:s31], [sflag:$0x2] =	stream.indirect.gather [hbm4b:s4+s30], $0x80, s7, s30, $0xb8;
	[tilespmem:$0x1FB80] =	vst v63  }
0xc7: {  	_ =	swait.ge [sflag:s0], $0x2800  }
0xc8: {  	[sflag:s0] =	ssyncset.done $0x0  }
0xc9: {  	s9 =	sadd.s32 $0x35C0, s6;
	[sflag:s0] =	ssyncadd.s32 $0xFFFFD800  }
0xca: {  	[spmem:s2] =	stream.indirect.scatter.add.f32 [tilespmem:s28], [sflag:$0x3], $0x80, s9, s30, $0xb8;
	[tilespmem:$0x1FB80] =	vst v63  }
0xcb: {  	_ =	swait.ge [sflag:s29], $0x2800  }
0xcc: {  	[sflag:s29] =	ssyncset.done $0x0  }
0xcd: {  	s10 =	sadd.s32 $0xA0, s6;
	[sflag:s29] =	ssyncadd.s32 $0xFFFFD800  }
0xce: {  	[tilespmem:s28], [sflag:$0x1] =	stream.indirect.gather [hbm4b:s4+s30], $0x80, s10, s30, $0xb8;
	[tilespmem:$0x1FB80] =	vst v63  }
0xcf: {  	_ =	swait.ge [sflag:s1], $0x2800  }
0xd0: {  	[sflag:s1] =	ssyncset.done $0x0  }
0xd1: {  	s7 =	sadd.s32 $0x3610, s6;
	[sflag:s1] =	ssyncadd.s32 $0xFFFFD800  }
0xd2: {  	[spmem:s2] =	stream.indirect.scatter.add.f32 [tilespmem:s31], [sflag:$0x3], $0x80, s7, s30, $0xb8;
	[tilespmem:$0x1FB80] =	vst v63  }
0xd3: {  	_ =	swait.ge [sflag:s29], $0x2800  }
0xd4: {  	[sflag:s29] =	ssyncset.done $0x0  }
0xd5: {  	s8 =	simm.s32 $0x3570;
	[sflag:s29] =	ssyncadd.s32 $0xFFFFD800  }
0xd6: {  	[tilespmem:s31], [sflag:$0x2] =	stream.indirect.gather [hbm4b:s4+s30], $0x80, s8, s30, $0xb8;
	[tilespmem:$0x1FB80] =	vst v63  }
0xd7: {  	_ =	swait.ge [sflag:s0], $0x2800  }
0xd8: {  	[sflag:s0] =	ssyncset.done $0x0  }
0xd9: {  	s9 =	simm.s32 $0x6AE0;
	[sflag:s0] =	ssyncadd.s32 $0xFFFFD800  }
0xda: {  	[spmem:s2] =	stream.indirect.scatter.add.f32 [tilespmem:s28], [sflag:$0x3], $0x80, s9, s30, $0xb8;
	[tilespmem:$0x1FB80] =	vst v63  }
0xdb: {  	_ =	swait.ge [sflag:s29], $0x2800  }
0xdc: {  	[sflag:s29] =	ssyncset.done $0x0  }
0xdd: {  	[sflag:s29] =	ssyncadd.s32 $0xFFFFD800  }
0xde: {  	_ =	swait.ge [sflag:s1], $0x2800  }
0xdf: {  	[sflag:s1] =	ssyncset.done $0x0  }
0xe0: {  	s10 =	simm.s32 $0x6B30;
	[sflag:s1] =	ssyncadd.s32 $0xFFFFD800  }
0xe1: {  	[spmem:s2] =	stream.indirect.scatter.add.f32 [tilespmem:s31], [sflag:$0x3], $0x80, s10, s30, $0xb8;
	[tilespmem:$0x1FB80] =	vst v63  }
0xe2: {  	s10 =	smov.u32 s11;
	s11 =	smov.u32 s12;
	s12 =	smov.u32 s13  }
0xe3: {  	s13 =	smov.u32 s14;
	s14 =	smov.u32 s15;
	s15 =	smov.u32 s16  }
.Ltmp5:
0xe4: {  	s16 =	smov.u32 s17;
	s17 =	smov.u32 s18;
	(pc) =	sbr.rel .LBB2_10-.Ltmp5, $4  }
0xe5: {  	s18 =	smov.u32 s19;
	s19 =	smov.u32 s20;
	s20 =	smov.u32 s21  }
0xe6: {  	s21 =	smov.u32 s22;
	s22 =	smov.u32 s23;
	_ =	swait.ge [sflag:s29], $0x2800  }
0xe7: {  	s23 =	smov.u32 s24;
	s24 =	smov.u32 s25;
	[sflag:s29] =	ssyncset.done $0x0  }
0xe8: {  	s25 =	smov.u32 s26;
	s26 =	rddreg [dreg:$0x8];
	[sflag:s29] =	ssyncadd.s32 $0xFFFFD800  }
.LBB2_7:
0xe9: {  	s6 =	simm.s32 $0x0  }
0xea: {  	[tilespmem:s28], [sflag:$0x1] =	stream.indirect.gather [hbm4b:s4+s30], $0x80, s6, s30, $0xb8;
	[tilespmem:$0x1FB80] =	vst v63  }
0xeb: {  	_ =	swait.ge [sflag:s0], $0x2800  }
0xec: {  	[sflag:s0] =	ssyncset.done $0x0  }
0xed: {  	s9 =	simm.s32 $0x35C0;
	[sflag:s0] =	ssyncadd.s32 $0xFFFFD800  }
0xee: {  	[spmem:s2] =	stream.indirect.scatter.add.f32 [tilespmem:s28], [sflag:$0x3], $0x80, s9, s30, $0xb8;
	[tilespmem:$0x1FB80] =	vst v63  }
0xef: {  	_ =	swait.ge [sflag:s29], $0x2800  }
0xf0: {  	s7 =	simm.s32 $0x280;
	s6 =	simm.s32 $0x140;
	[sflag:s29] =	ssyncset.done $0x0  }
.LBB2_8:
0xf1: {  	s8 =	sshra.s32 s6, $0x2  }
0xf2: {  	[sflag:s29] =	ssyncadd.s32 $0xFFFFD800;
	s6 =	smov.u32 s7;
	s9 =	sadd.s32 $0x140, s7  }
0xf3: {  	[tilespmem:s28], [sflag:$0x1] =	stream.indirect.gather [hbm4b:s4+s30], $0x80, s8, s30, $0xb8;
	[tilespmem:$0x1FB80] =	vst v63  }
0xf4: {  	p2 =	seq.s32 s7, $0x6040;
	_ =	swait.ge [sflag:s0], $0x2800  }
.Ltmp6:
0xf5: {  	[sflag:s0] =	ssyncset.done $0x0;
	(pc) =	sbr.rel @!p2 .LBB2_8-.Ltmp6, $4  }
0xf6: {  	s7 =	sadd.s32 $0x35C0, s8;
	[sflag:s0] =	ssyncadd.s32 $0xFFFFD800  }
0xf7: {  	[spmem:s2] =	stream.indirect.scatter.add.f32 [tilespmem:s28], [sflag:$0x3], $0x80, s7, s30, $0xb8;
	[tilespmem:$0x1FB80] =	vst v63  }
0xf8: {  	_ =	swait.ge [sflag:s29], $0x2800  }
0xf9: {  	s7 =	smov.u32 s9;
	[sflag:s29] =	ssyncset.done $0x0  }
.Ltmp7:
0xfa: {  	_ = 	snop;
	(pc) =	sbr.rel .LBB2_9-.Ltmp7, $1  }
0xfb: {  	_ =	sdelay $0x3  }
.LBB2_11:
0xfc: {  	_ =	sfence.sel $0x180000  }
0xfd: {  	[bflag:$0x0] =	sbarrier.arrive $0xFFFF  }
0xfe: {  	_ =	strace $0x9000004D  }
0xff: {  	s0 =	stileid.u32;
	[bflag:$0x2] =	sbarrier.arrive $0xFFFF  }
0x100: {  	p0 =	sne.s32 s0, $0x0;
	s0 =	rddreg [dreg:$0x2]  }
0x101: {  	s0 =	sadd.s32 @!p0 $0x100000, s0  }
0x102: {  	[sflag:s0] =	ssyncadd.tile.s32 @!p0 $0x1;
	_ =	shalt  }
.Lfunc_end2:
_tile_overlayer_lowered:
.L_overlay_start_2:
0x103: {  	(tag) =	ssettag $0x2  }
0x104: {  	s0 =	rddreg [dreg:$0x0];
	s2 =	stileid.u32  }
0x105: {  	s1 =	rddreg [dreg:$0x1];
	p0 =	sne.s32 s2, $0x0  }
0x106: {  	s3 =	rddreg [dreg:$0x2];
	[bflag:$0x3] =	sbarrier.arrive $0xFFFF;
	s2 =	simm.s32 @!p0 $0x1C03  }
0x107: {  	[timem:s3], [sflag:s2] =	dma.local @!p0 [hbm:s0], s1  }
0x108: {  	s0 =	simm.s32 @!p0 $0x3  }
0x109: {  	_ =	swait.ge @!p0 [sflag:s0], s1  }
0x10a: {  	s1 =	ssub.s32 @!p0 $0x0, s1;
	[sflag:s0] =	ssyncset.done @!p0 $0x0  }
0x10b: {  	[sflag:s0] =	ssyncadd.s32 @!p0 s1  }
0x10c: {  	[bflag:$0x3] =	sbarrier.arrive $0xFFFF  }
0x10d: {  	_ =	shalt  }

// kernel: kernel.8.cloned.1.call-start
scs
__scs_entry_jumppad:
0x0: {  	(pc) =	sbr.rel $0x88, $3  }
0x1: {  	(tag) =	ssettag $0x0;
	lr =	simm.s32 $0x1  }
0x2: {  	[smem:$0x3F9B] =	sst lr;
	_ =	strace $0xD0000000  }
0x3: {  	_ = 	snop  }
0x4: {  	_ = 	snop  }
0x5: {  	_ = 	snop  }
0x6: {  	_ = 	snop  }
0x7: {  	_ = 	snop  }
__scs_overlays_trampoline_lowered:
0x8: {  	[smem:$0x3FAA] =	sst s0  }
0x9: {  	[smem:$0x3FAB] =	sst s1  }
0xa: {  	[smem:$0x3FAC] =	sst s2  }
0xb: {  	[smem:$0x3FAD] =	sst s3  }
0xc: {  	[smem:$0x3FAE] =	sst s4  }
0xd: {  	[smem:$0x3FAF] =	sst s5  }
0xe: {  	[smem:$0x3FB0] =	sst s6  }
0xf: {  	[smem:$0x3FB1] =	sst s7  }
0x10: {  	[smem:$0x3FB2] =	sst s8  }
0x11: {  	[smem:$0x3FB3] =	sst s9;
	s0 =	simm.s32 @!p0 $0x0  }
0x12: {  	s1 =	sld [smem:$0x3F99];
	s0 =	simm.s32 @p0 $0x1  }
0x13: {  	[smem:$0x3FB4] =	sst s0;
	s0 =	simm.s32 @!p1 $0x0  }
0x14: {  	s2 =	sld [smem:$0x3F98];
	s0 =	simm.s32 @p1 $0x1  }
0x15: {  	[smem:$0x3FB5] =	sst s0;
	s0 =	simm.s32 @!p2 $0x0  }
0x16: {  	s3 =	sld [smem:$0x3FDB];
	s0 =	simm.s32 @p2 $0x1  }
0x17: {  	s4 =	simm.s32 $0x1BF5;
	[smem:$0x3FB7] =	sst s0  }
0x18: {  	s0 =	sld [smem:$0x3F9A];
	_ =	swait.ge [sflag:s4], $0x0  }
0x19: {  	s7 =	sld [smem:$0x3F9B]  }
0x1a: {  	s8 =	sadd.s32 $0xFFFFE003, lr  }
0x1b: {  	s9 =	sadd.s32 $0xFFFFFEF7, lr;
	s5 =	simm.s32 $0xFFFFFFFF;
	p2 =	slt.u32 s8, $0xFFFFF086  }
0x1c: {  	p1 =	slt.u32 s9, $0xF7A;
	s5 =	simm.s32 @!p2 $0x0  }
0x1d: {  	s5 =	simm.s32 @p1 $0x1;
	p0 =	seq.s32 s7, s2  }
0x1e: {  	s7 =	smul.u32 @!p0 $0xF7A, s2;
	p2 =	seq.s32 @!p0 s5, $0x0  }
0x1f: {  	s9 =	smul.u32 $0xF7A, s1;
	s8 =	simm.s32 @!p0 $0x1BF5;
	p2 =	por !p2, p0  }
0x20: {  	[sflag:s8] =	ssyncset.s32 @!p0 $0xFFFFF086;
	s6 =	sadd.s32 @!p0 s3, s7;
	s7 =	simm.s32 @!p0 $0x108  }
0x21: {  	s3 =	sadd.s32 s3, s9;
	s6 =	sadd.s32 @!p0 $0x88, s6;
	s7 =	simm.s32 @p2 $0x1082  }
0x22: {  	[simem:s7], [sflag:s8] =	dma.local @!p0 [hbm:s6], $0xF7A  }
0x23: {  	s9 =	sor.u32 $0xD0000000, s2;
	s6 =	simm.s32 $0x108;
	_ =	swait.ge @!p0 [sflag:s8], $0x0  }
0x24: {  	s3 =	sadd.s32 $0x88, s3;
	s6 =	simm.s32 @!p1 $0x1082;
	[sflag:s4] =	ssyncset.s32 $0xFFFFF086  }
0x25: {  	[simem:s6], [sflag:s4] =	dma.local [hbm:s3], $0xF7A  }
0x26: {  	[smem:$0x3F9B] =	sst s1;
	(tag) =	ssettag s2;
	_ =	strace s9  }
0x27: {  	s1 =	sld [smem:$0x3FAB]  }
0x28: {  	s2 =	sld [smem:$0x3FAC]  }
0x29: {  	s4 =	sld [smem:$0x3FAE]  }
0x2a: {  	p0 =	seq.s32 s5, $0x0;
	s5 =	sld [smem:$0x3FAF]  }
0x2b: {  	s6 =	sld [smem:$0x3FB0]  }
0x2c: {  	s7 =	sld [smem:$0x3FB1]  }
0x2d: {  	s3 =	simm.s32 $0x108;
	s8 =	sld [smem:$0x3FB2]  }
0x2e: {  	s3 =	simm.s32 @!p0 $0x1082;
	s9 =	sld [smem:$0x3FB3]  }
0x2f: {  	lr =	sadd.s32 s0, s3;
	s0 =	sld [smem:$0x3FAA]  }
0x30: {  	s3 =	sld [smem:$0x3FAD]  }
0x31: {  	[smem:$0x3FB6] =	sst s10  }
0x32: {  	s10 =	sld [smem:$0x3FB4];
	_ =	sdelay $0x3  }
0x33: {  	p0 =	seq.s32 s10, $0x1;
	s10 =	sld [smem:$0x3FB6];
	_ =	sdelay $0x3  }
0x34: {  	[smem:$0x3FB6] =	sst s10  }
0x35: {  	s10 =	sld [smem:$0x3FB5];
	_ =	sdelay $0x3  }
0x36: {  	p1 =	seq.s32 s10, $0x1;
	s10 =	sld [smem:$0x3FB6];
	_ =	sdelay $0x3  }
0x37: {  	[smem:$0x3FB6] =	sst s10  }
0x38: {  	s10 =	sld [smem:$0x3FB7]  }
0x39: {  	_ = 	snop;
	(pc) =	sbr.ind lr, $3  }
0x3a: {  	_ = 	snop  }
0x3b: {  	_ = 	snop  }
0x3c: {  	p2 =	seq.s32 s10, $0x1;
	s10 =	sld [smem:$0x3FB6]  }
0x3d: {  	_ =	shalt  }
0x3e: {  	_ =	shalt  }
0x3f: {  	_ =	shalt  }
0x40: {  	_ =	shalt  }
0x41: {  	_ =	shalt  }
0x42: {  	_ =	shalt  }
0x43: {  	_ =	shalt  }
0x44: {  	_ =	shalt  }
0x45: {  	_ =	shalt  }
0x46: {  	_ =	shalt  }
0x47: {  	_ =	shalt  }
0x48: {  	_ =	shalt  }
0x49: {  	_ =	shalt  }
0x4a: {  	_ =	shalt  }
0x4b: {  	_ =	shalt  }
0x4c: {  	_ =	shalt  }
0x4d: {  	_ =	shalt  }
0x4e: {  	_ =	shalt  }
0x4f: {  	_ =	shalt  }
0x50: {  	_ =	shalt  }
0x51: {  	_ =	shalt  }
0x52: {  	_ =	shalt  }
0x53: {  	_ =	shalt  }
0x54: {  	_ =	shalt  }
0x55: {  	_ =	shalt  }
0x56: {  	_ =	shalt  }
0x57: {  	_ =	shalt  }
0x58: {  	_ =	shalt  }
0x59: {  	_ =	shalt  }
0x5a: {  	_ =	shalt  }
0x5b: {  	_ =	shalt  }
0x5c: {  	_ =	shalt  }
0x5d: {  	_ =	shalt  }
0x5e: {  	_ =	shalt  }
0x5f: {  	_ =	shalt  }
0x60: {  	_ =	shalt  }
0x61: {  	_ =	shalt  }
0x62: {  	_ =	shalt  }
0x63: {  	_ =	shalt  }
0x64: {  	_ =	shalt  }
0x65: {  	_ =	shalt  }
0x66: {  	_ =	shalt  }
0x67: {  	_ =	shalt  }
0x68: {  	_ =	shalt  }
0x69: {  	_ =	shalt  }
0x6a: {  	_ =	shalt  }
0x6b: {  	_ =	shalt  }
0x6c: {  	_ =	shalt  }
0x6d: {  	_ =	shalt  }
0x6e: {  	_ =	shalt  }
0x6f: {  	_ =	shalt  }
0x70: {  	_ =	shalt  }
0x71: {  	_ =	shalt  }
0x72: {  	_ =	shalt  }
0x73: {  	_ =	shalt  }
0x74: {  	_ =	shalt  }
0x75: {  	_ =	shalt  }
0x76: {  	_ =	shalt  }
0x77: {  	_ =	shalt  }
0x78: {  	_ =	shalt  }
0x79: {  	_ =	shalt  }
0x7a: {  	_ =	shalt  }
0x7b: {  	_ =	shalt  }
0x7c: {  	_ =	shalt  }
0x7d: {  	_ =	shalt  }
0x7e: {  	_ =	shalt  }
0x7f: {  	_ =	shalt  }
0x80: {  	_ =	shalt  }
0x81: {  	_ =	shalt  }
0x82: {  	_ =	shalt  }
0x83: {  	_ =	shalt  }
0x84: {  	_ =	shalt  }
0x85: {  	_ =	shalt  }
0x86: {  	_ =	shalt  }
0x87: {  	_ =	shalt  }
.Lfunc_end0:
.L_simem_size_0:
called_computation_lowered:
.L_overlay_start_0:
0x88: {  	s2 =	sld [smem:$0x3FD9]  }
0x89: {  	s3 =	sld [smem:$0x3FFE];
	_ =	sdelay $0x1  }
0x8a: {  	s1 =	srdreg.scid  }
0x8b: {  	s0 =	sand.u32 $0x1, s1  }
0x8c: {  	s17 =	sshll.u32 s0, $0xA;
	s2 =	sadd.s32 s3, s2  }
0x8d: {  	s2 =	sadd.s32 s2, s17  }
0x8e: {  	[smem:$0x3FC2] =	sst s2  }
0x8f: {  	_ = 	snop  }
0x90: {  	s2 =	sld [smem:$0x3FD0];
	(tm) =	ssettm $0x1  }
0x91: {  	s18 =	sld [smem:$0x3FFB];
	_ =	sdelay $0x3  }
0x92: {  	_ =	strace s18  }
0x93: {  	s3 =	sld [smem:$0x3FFC];
	_ =	sdelay $0x3  }
0x94: {  	_ =	strace s3  }
0x95: {  	s3 =	sld [smem:$0x3FFD];
	_ =	sdelay $0x3  }
0x96: {  	_ =	strace s3  }
0x97: {  	_ =	strace $0x8FFFFFFF  }
0x98: {  	s19 =	sld [smem:$0x3FDB];
	_ =	sdelay $0x1  }
0x99: {  	s4 =	simm.s32 $_scs_section_size  }
0x9a: {  	s5 =	simm.s32 $_size__tile_overlayer_lowered;
	s6 =	simm.s32 $_tile_overlayer_lowered  }
0x9b: {  	s22 =	simm.s32 $0x1BFF;
	s21 =	sshll.u32 s6, $0x1;
	s3 =	sadd.s32 s4, s19  }
0x9c: {  	s7 =	simm.s32 $0x0;
	s20 =	sshll.u32 s5, $0x1;
	s5 =	sadd.s32 s21, s3  }
0x9d: {  	[timem:s7], [sflag:s22] =	dma.local [hbm:s5], s20  }
0x9e: {  	_ =	swait.ge [sflag:s22], s20  }
0x9f: {  	s4 =	ssub.s32 $0x0, s20;
	[sflag:s22] =	ssyncset.done $0x0  }
0xa0: {  	[sflag:s22] =	ssyncadd.s32 s4;
	_ =	sdelay $0x1  }
0xa1: {  	s23 =	simm.s32 $0x1B8B  }
0xa2: {  	_ =	swait.ge [sflag:s23], $0x1  }
0xa3: {  	[sflag:s23] =	ssyncset.done $0x0  }
0xa4: {  	s25 =	simm.s32 $0x1B8E;
	s24 =	sld [smem:$0x3FFE];
	[sflag:s23] =	ssyncadd.s32 $0xFFFFFFFF  }
0xa5: {  	s26 =	simm.s32 $execute0_lowered;
	[smem:$0x3FD2] =	sst s25  }
0xa6: {  	s5 =	sshll.u32 s26, $0x1;
	_ =	strace $0x80000046;
	[dreg:$0x1] =	wrdreg $0xFFFFFFFF  }
0xa7: {  	s28 =	simm.s32 $_size_execute0_lowered;
	s3 =	sadd.s32 s3, s5;
	[dreg:$0x0] =	wrdreg $0x0  }
0xa8: {  	s5 =	sshll.u32 s28, $0x1;
	[dreg:$0x2] =	wrdreg s3  }
0xa9: {  	[dreg:$0x3] =	wrdreg s5  }
0xaa: {  	[dreg:$0x4] =	wrdreg $0xC0  }
0xab: {  	_ =	task [dreg:s7], $0x5FFFF  }
0xac: {  	[dreg:$0x1] =	wrdreg $0xFFFFFFFF  }
0xad: {  	[dreg:$0x0] =	wrdreg $0x60  }
0xae: {  	[dreg:$0x2] =	wrdreg s2  }
0xaf: {  	[dreg:$0x3] =	wrdreg s24  }
0xb0: {  	[dreg:$0x4] =	wrdreg $0x66800  }
0xb1: {  	[dreg:$0x5] =	wrdreg $0x9  }
0xb2: {  	_ =	task.clear_ibuf [dreg:s7], $0x6FFFF;
	_ =	strace $0x90000046  }
0xb3: {  	s29 =	simm.s32 $0x9;
	_ =	strace $0x80000048  }
0xb4: {  	_ =	swait.ge [sflag:s29], $0x1  }
0xb5: {  	[sflag:s29] =	ssyncadd.s32 $0xFFFFFFFF  }
0xb6: {  	_ =	strace $0x90000048  }
0xb7: {  	_ =	sfence  }
0xb8: {  	s30 =	sld [smem:$0x0];
	_ =	sdelay $0x2  }
0xb9: {  	s31 =	sshll.u32 s1, $0xD;
	s1 =	sshrl.u32 s1, $0x2  }
0xba: {  	s3 =	sand.u32 $0x4000, s31;
	s1 =	sadd.s32 s1, s30  }
0xbb: {  	s0 =	sor.u32 s3, s0;
	s1 =	sshll.u32 s1, $0x11  }
0xbc: {  	s0 =	sor.u32 s1, s0  }
0xbd: {  	s0 =	sadd.s32 $0x8F2B, s0  }
0xbe: {  	[sflag:s0] =	ssyncadd.remote.s32 $0x1  }
0xbf: {  	_ =	sfence.sel $0xFFFF  }
0xc0: {  	[dreg:$0x0] =	wrdreg $0xFFFFFFFF;
	(pc) =	sbr.abs _section_cstart, $3  }
0xc1: {  	[dreg:$0x1] =	wrdreg $0xFFFFFFFF  }
0xc2: {  	_ =	task.clear_ibuf [dreg:s7], $0x2FFFF;
	_ =	strace $0x9FFFFFFF  }
0xc3: {  	(tm) =	ssettm $0x7FFFFFFF  }
tec
execute0_lowered:
.L_overlay_start_1:
0x0: {  	(tag) =	ssettag $0x1  }
0x1: {  	s6 =	rddreg [dreg:$0x0]  }
0x2: {  	s7 =	rddreg [dreg:$0x1]  }
0x3: {  	s2 =	rddreg [dreg:$0x2]  }
0x4: {  	s0 =	rddreg [dreg:$0x3];
	s4 =	srdreg.scid  }
0x5: {  	s1 =	stileid.u32;
	s3 =	simm.s32 $0x0;
	s13 =	simm.s32 $0x80  }
0x6: {  	s14 =	simm.s32 $0x0;
	s5 =	sand.u32 $0x1, s4;
	s8 =	smul.u32 $0x1400, s1  }
0x7: {  	[smem:$0x7FF] =	sst s3;
	s4 =	sadd.s32 $0x2200, s7;
	s9 =	smul.u32 $0x14000, s5  }
0x8: {  	_ =	strace $0x80000047;
	s10 =	sshll.u32 s5, $0x4;
	s11 =	ssub.s32 $0x2, s5  }
0x9: {  	s5 =	sadd.s32 $0x2400, s7;
	s30 =	sor.u32 s1, s10;
	s9 =	sadd.s32 s8, s9  }
0xa: {  	s31 =	sshrl.u32 s11, $0x1;
	s12 =	smul.u32 $0x9D0, s30;
	s9 =	sshrl.u32 s9, $0x3  }
0xb: {  	s10 =	ssub.s32 s11, s31;
	s11 =	simm.s32 $0x4E80;
	s9 =	sadd.s32 s9, s7  }
0xc: {  	s6 =	sadd.s32 s6, s12;
	s7 =	sadd.s32 s8, s2;
	s12 =	simm.s32 $0x5280  }
0xd: {  	s8 =	sadd.s32 $0x2800, s9;
	s9 =	smax.u32 s10, $0x1;
	s10 =	simm.s32 $0x1  }
.LBB2_1:
0xe: {  	[tilespmem:s3], [sflag:$0x1] =	stream.linear.gather [hbm4b:s6+s3], $0x4E80, $0x38;
	[tilespmem:$0x7A80] =	vst v63  }
0xf: {  	_ =	swait.ge [sflag:s10], $0x4E80  }
0x10: {  	[sflag:s10] =	ssyncset.done $0x0  }
0x11: {  	[sflag:s10] =	ssyncadd.s32 $0xFFFFB180  }
0x12: {  	[tilespmem:s11], [sflag:$0x1] =	stream.linear.gather [hbm4b:s4+s3], $0x400, $0x38;
	[tilespmem:$0x7A80] =	vst v63  }
0x13: {  	_ =	swait.ge [sflag:s10], $0x400  }
0x14: {  	[sflag:s10] =	ssyncset.done $0x0  }
0x15: {  	[sflag:s10] =	ssyncadd.s32 $0xFFFFFC00  }
0x16: {  	[tilespmem:s12], [sflag:$0x1] =	stream.linear.gather [hbm4b:s5+s3], $0x1400, $0x38;
	[tilespmem:$0x7A80] =	vst v63  }
0x17: {  	_ =	swait.ge [sflag:s10], $0x1400  }
0x18: {  	[sflag:s10] =	ssyncset.done $0x0  }
0x19: {  	[sflag:s10] =	ssyncadd.s32 $0xFFFFEC00  }
0x1a: {  	[spmem:s7] =	stream.linear.scatter [tilespmem:s12], [sflag:$0x1], $0x1400, $0x38;
	[tilespmem:$0x7A80] =	vst v63  }
0x1b: {  	_ =	swait.ge [sflag:s10], $0x1400  }
0x1c: {  	[sflag:s10] =	ssyncset.done $0x0  }
0x1d: {  	[sflag:s10] =	ssyncadd.s32 $0xFFFFEC00  }
0x1e: {  	s15 =	simm.s32 $0x0;
	[bflag:$0x0] =	sbarrier.arrive $0xFFFF  }
0x1f: {  	[spmem:s2] =	stream.indirect.scatter.add.f32 [tilespmem:s11], [sflag:$0x1], $0x8, s15, s13, $0xb8;
	[tilespmem:$0x7A80] =	vst v63  }
0x20: {  	_ =	swait.ge [sflag:s10], $0x400  }
0x21: {  	s15 =	simm.s32 $0x200;
	[sflag:s10] =	ssyncset.done $0x0  }
.LBB2_2:
0x22: {  	s16 =	sshra.s32 s15, $0x2;
	[sflag:s10] =	ssyncadd.s32 $0xFFFFFC00;
	p0 =	sne.s32 s15, $0x13800  }
0x23: {  	[spmem:s2] =	stream.indirect.scatter.add.f32 [tilespmem:s11], [sflag:$0x1], $0x8, s16, s13, $0xb8;
	[tilespmem:$0x7A80] =	vst v63  }
.Ltmp0:
0x24: {  	_ = 	snop;
	(pc) =	sbr.rel @p0 .LBB2_2-.Ltmp0, $4  }
0x25: {  	_ = 	snop  }
0x26: {  	s15 =	sadd.s32 $0x200, s15  }
0x27: {  	_ =	swait.ge [sflag:s10], $0x400  }
0x28: {  	[sflag:s10] =	ssyncset.done $0x0  }
0x29: {  	[sflag:s10] =	ssyncadd.s32 $0xFFFFFC00  }
0x2a: {  	[bflag:$0x0] =	sbarrier.arrive $0xFFFF  }
0x2b: {  	[tilespmem:s12], [sflag:$0x1] =	stream.linear.gather [spmem:s7], $0x1400, $0x38;
	[tilespmem:$0x7A80] =	vst v63  }
0x2c: {  	s14 =	sadd.s32 $0x1, s14;
	_ =	swait.ge [sflag:s10], $0x1400  }
0x2d: {  	p0 =	sne.s32 s14, s9;
	[sflag:s10] =	ssyncset.done $0x0  }
.Ltmp1:
0x2e: {  	[sflag:s10] =	ssyncadd.s32 $0xFFFFEC00;
	(pc) =	sbr.rel @p0 .LBB2_1-.Ltmp1, $4  }
0x2f: {  	[hbm4b:s8+s3] =	stream.linear.scatter [tilespmem:s12], [sflag:$0x1], $0x1400, $0x38;
	[tilespmem:$0x7A80] =	vst v63  }
0x30: {  	_ =	swait.ge [sflag:s10], $0x1400  }
0x31: {  	[sflag:s10] =	ssyncset.done $0x0  }
0x32: {  	[sflag:s10] =	ssyncadd.s32 $0xFFFFEC00  }
0x33: {  	_ =	sfence.sel $0x180000  }
0x34: {  	[bflag:$0x0] =	sbarrier.arrive $0xFFFF  }
0x35: {  	p0 =	sne.s32 s1, $0x0;
	_ =	strace $0x90000047  }
0x36: {  	s0 =	sadd.s32 @!p0 $0x100000, s0;
	[bflag:$0x2] =	sbarrier.arrive $0xFFFF  }
0x37: {  	[sflag:s0] =	ssyncadd.tile.s32 @!p0 $0x1;
	_ =	shalt  }
.Lfunc_end2:
_tile_overlayer_lowered:
.L_overlay_start_2:
0x38: {  	(tag) =	ssettag $0x2  }
0x39: {  	s0 =	rddreg [dreg:$0x0];
	s2 =	stileid.u32  }
0x3a: {  	s1 =	rddreg [dreg:$0x1];
	p0 =	sne.s32 s2, $0x0  }
0x3b: {  	s3 =	rddreg [dreg:$0x2];
	[bflag:$0x3] =	sbarrier.arrive $0xFFFF;
	s2 =	simm.s32 @!p0 $0x1C01  }
0x3c: {  	[timem:s3], [sflag:s2] =	dma.local @!p0 [hbm:s0], s1  }
0x3d: {  	s0 =	simm.s32 @!p0 $0x1  }
0x3e: {  	_ =	swait.ge @!p0 [sflag:s0], s1  }
0x3f: {  	s1 =	ssub.s32 @!p0 $0x0, s1;
	[sflag:s0] =	ssyncset.done @!p0 $0x0  }
0x40: {  	[sflag:s0] =	ssyncadd.s32 @!p0 s1  }
0x41: {  	[bflag:$0x3] =	sbarrier.arrive $0xFFFF  }
0x42: {  	_ =	shalt  }

</sc_bundles>
